<compile_context>
chip_gen: v7x
topology: tpu7x:2x2x1
jax: 0.10.2.dev20260603
libtpu: 0.0.44.dev20260713+nightly
codegen_flags: <defaults>
</compile_context>

<pallas_src>
import functools

import jax
import jax.numpy as jnp
from jax import lax
from jax.experimental import pallas as pl
from jax.experimental.pallas import tpu as pltpu
from jax.experimental.pallas import tpu_sc as plsc

N = 10000
IN_DIM = 256
OUT_DIM = 512
E = 160000

NP = 10240
EP = 163840
HALF = IN_DIM // 2

NC = 2
NS = 16
K = 128
NB = 2
STRIPE = NP // NS

_MESH = plsc.VectorSubcoreMesh(core_axis_name="c", subcore_axis_name="s")


def _fill_f32(ref, n, value):
    def body(i, _):
        ref[pl.ds(i * 16, 16)] = jnp.full((16,), value, jnp.float32)
        return 0
    lax.fori_loop(0, n // 16, body, 0)


CHUNKS = EP // (NS * K)
PHASES = 2
CPP = CHUNKS // PHASES
DEG_CHUNKS = EP // (NC * NS * K)


@functools.partial(
    pl.kernel,
    out_type=jax.ShapeDtypeStruct((NC, NP), jnp.float32),
    mesh=_MESH,
    scratch_types=[
        pltpu.VMEM((DEG_CHUNKS, K), jnp.int32),
        pltpu.VMEM((K,), jnp.float32),
        pltpu.VMEM((STRIPE,), jnp.float32),
        pltpu.VMEM_SHARED((NP,), jnp.float32),
    ],
)
def _deg_kernel(dst_hbm, deg_hbm, dst_all, ones_v, zbuf, deg_sh):
    c = lax.axis_index("c")
    s = lax.axis_index("s")
    _fill_f32(ones_v, K, 1.0)
    _fill_f32(zbuf, STRIPE, 0.0)
    pltpu.sync_copy(zbuf, deg_sh.at[pl.ds(s * STRIPE, STRIPE)])
    base_chunk = c * (NS * DEG_CHUNKS) + s * DEG_CHUNKS
    pltpu.sync_copy(dst_hbm.at[pl.ds(base_chunk, DEG_CHUNKS), :], dst_all)
    plsc.subcore_barrier()

    def body(j, _):
        pltpu.sync_copy(ones_v, deg_sh.at[dst_all.at[j]], add=True)
        return 0
    lax.fori_loop(0, DEG_CHUNKS, body, 0)

    plsc.subcore_barrier()
    pltpu.sync_copy(deg_sh.at[pl.ds(s * STRIPE, STRIPE)],
                    deg_hbm.at[c, pl.ds(s * STRIPE, STRIPE)])


R2 = 512


def _scale_body(x_ref, dega_ref, degb_ref, xs0_ref, xs1_ref, dinv_ref):
    i = pl.program_id(0)
    deg = dega_ref[...] + degb_ref[...] + 1.0
    dinv = lax.rsqrt(deg)
    row = i * R2 + lax.broadcasted_iota(jnp.int32, (R2, 1), 0)
    valid = row < N
    dinv = jnp.where(valid, dinv, 0.0)
    xs = jnp.where(valid, x_ref[...] * dinv, 0.0)
    xs0_ref[...] = xs[:, :HALF]
    xs1_ref[...] = xs[:, HALF:]
    dinv_ref[...] = dinv


_scale_kernel = pl.pallas_call(
    _scale_body,
    grid=(NP // R2,),
    in_specs=[
        pl.BlockSpec((R2, IN_DIM), lambda i: (i, 0)),
        pl.BlockSpec((R2, 1), lambda i: (i, 0)),
        pl.BlockSpec((R2, 1), lambda i: (i, 0)),
    ],
    out_specs=[
        pl.BlockSpec((R2, HALF), lambda i: (i, 0)),
        pl.BlockSpec((R2, HALF), lambda i: (i, 0)),
        pl.BlockSpec((R2, 1), lambda i: (i, 0)),
    ],
    out_shape=[
        jax.ShapeDtypeStruct((NP, HALF), jnp.float32),
        jax.ShapeDtypeStruct((NP, HALF), jnp.float32),
        jax.ShapeDtypeStruct((NP, 1), jnp.float32),
    ],
)


@functools.partial(
    pl.kernel,
    out_type=jax.ShapeDtypeStruct((NC, NP, HALF), jnp.float32),
    mesh=_MESH,
    scratch_types=[
        pltpu.VMEM((CPP, K), jnp.int32),
        pltpu.VMEM((CPP, K), jnp.int32),
        [pltpu.VMEM((K, HALF), jnp.float32)] * NB,
        [pltpu.SemaphoreType.DMA] * NB,
        pltpu.VMEM_SHARED((NP, HALF), jnp.float32),
    ],
)
def _agg_kernel(xs0_hbm, xs1_hbm, src_hbm, dst_hbm, s_out_hbm,
                src_all, dst_all, bufs, gsems, s_sh):
    c = lax.axis_index("c")
    s = lax.axis_index("s")

    def zfill(t, _):
        r = t // (HALF // 16)
        col = (t % (HALF // 16)) * 16
        bufs[0][r, pl.ds(col, 16)] = jnp.zeros((16,), jnp.float32)
        return 0
    lax.fori_loop(0, K * HALF // 16, zfill, 0)
    for k in range(STRIPE // K):
        pltpu.sync_copy(bufs[0], s_sh.at[pl.ds(s * STRIPE + k * K, K)])
    plsc.subcore_barrier()

    def run(xs_hbm, cid):
        def gather(j, b):
            pltpu.async_copy(xs_hbm.at[src_all.at[j]], bufs[b], gsems[b])

        def wait_gather(j, b):
            pltpu.make_async_copy(xs_hbm.at[src_all.at[j]], bufs[b],
                                  gsems[b]).wait()

        for p in range(PHASES):
            pltpu.sync_copy(src_hbm.at[pl.ds(s * CHUNKS + p * CPP, CPP), :],
                            src_all)
            pltpu.sync_copy(dst_hbm.at[pl.ds(s * CHUNKS + p * CPP, CPP), :],
                            dst_all)
            gather(0, 0)
            gather(1, 1)

            def body(i, _):
                for b in range(NB):
                    j = i * NB + b
                    wait_gather(j, b)
                    pltpu.sync_copy(bufs[b], s_sh.at[dst_all.at[j]], add=True)

                    @pl.when(j + 2 < CPP)
                    def _():
                        gather(j + 2, b)
                return 0
            lax.fori_loop(0, CPP // NB, body, 0)

        plsc.subcore_barrier()
        pltpu.sync_copy(s_sh.at[pl.ds(s * STRIPE, STRIPE)],
                        s_out_hbm.at[cid, pl.ds(s * STRIPE, STRIPE), :])

    @pl.when(c == 0)
    def _():
        run(xs0_hbm, 0)

    @pl.when(c == 1)
    def _():
        run(xs1_hbm, 1)


R4 = 512


def _out_body(s_ref, x_ref, dinv_ref, w_ref, b_ref, out_ref):
    dinv = dinv_ref[...]
    s01 = jnp.concatenate([s_ref[0], s_ref[1]], axis=1).astype(jnp.float32)
    a = s01 * dinv + x_ref[...] * (dinv * dinv)
    h = jnp.dot(a, w_ref[...], preferred_element_type=jnp.float32)
    h = jnp.maximum(h + b_ref[...], 0.0)
    m = jnp.max(h, axis=1, keepdims=True)
    e = jnp.exp(h - m)
    out_ref[...] = e / jnp.sum(e, axis=1, keepdims=True)


_out_kernel = pl.pallas_call(
    _out_body,
    grid=(NP // R4,),
    in_specs=[
        pl.BlockSpec((NC, R4, HALF), lambda i: (0, i, 0)),
        pl.BlockSpec((R4, IN_DIM), lambda i: (i, 0)),
        pl.BlockSpec((R4, 1), lambda i: (i, 0)),
        pl.BlockSpec((IN_DIM, OUT_DIM), lambda i: (0, 0)),
        pl.BlockSpec((1, OUT_DIM), lambda i: (0, 0)),
    ],
    out_specs=pl.BlockSpec((R4, OUT_DIM), lambda i: (i, 0)),
    out_shape=jax.ShapeDtypeStruct((N, OUT_DIM), jnp.float32),
)


def kernel(x, edge_index, W, b):
    src = edge_index[0].astype(jnp.int32)
    dst = edge_index[1].astype(jnp.int32)
    pad = jnp.full((EP - E,), N, dtype=jnp.int32)
    src_p = jnp.concatenate([src, pad]).reshape(EP // K, K)
    dst_p = jnp.concatenate([dst, pad]).reshape(EP // K, K)

    deg2 = _deg_kernel(dst_p)
    dega = deg2[0].reshape(NP, 1)
    degb = deg2[1].reshape(NP, 1)
    xs0, xs1, dinv = _scale_kernel(x, dega, degb)
    s_agg = _agg_kernel(xs0, xs1, src_p, dst_p)
    return _out_kernel(s_agg, x, dinv, W, b.reshape(1, OUT_DIM))

# --- scband reference (transcript-rebuilt; emitter-appended) ---
"""Pipeline reference for scband-gcnconv-layer-62929860821183 (READ-ONLY COPY).

The authoritative reference and input builder live on the scoring server;
editing this copy changes nothing except your own understanding.
"""

import jax, jax.numpy as jnp
import numpy as np

N_NODES = 10000
IN_DIM = 256
OUT_DIM = 512
N_EDGES = 160000


def setup_inputs(seed: int = 0) -> dict:
    key = jax.random.key(seed)
    k1, k2, k3, k4 = jax.random.split(key, 4)
    x = jax.random.normal(k1, (N_NODES, IN_DIM), dtype=jnp.float32)
    edge_index = jax.random.randint(k2, (2, N_EDGES), 0, N_NODES, dtype=jnp.int64)
    # GCNConv learned params (PyG-style): weight [in, out], bias [out]
    W = jax.random.normal(k3, (IN_DIM, OUT_DIM), dtype=jnp.float32) * (1.0 / np.sqrt(IN_DIM))
    b = jnp.zeros((OUT_DIM,), dtype=jnp.float32)
    return {"x": x, "edge_index": edge_index, "W": W, "b": b}


def reference(x, edge_index, W, b):
    N = x.shape[0]
    # --- GCNConv (PyG semantics): add self-loops, symmetric normalization ---
    loop = jnp.arange(N, dtype=edge_index.dtype)
    src = jnp.concatenate([edge_index[0], loop])
    dst = jnp.concatenate([edge_index[1], loop])
    deg = jnp.zeros((N,), dtype=x.dtype).at[dst].add(1.0)
    deg_inv_sqrt = jnp.where(deg > 0, jax.lax.rsqrt(jnp.maximum(deg, 1e-12)), 0.0)
    norm = deg_inv_sqrt[src] * deg_inv_sqrt[dst]
    # linear transform first (compute-heavy), then gather/scatter aggregate
    h = x @ W
    msgs = h[src] * norm[:, None]
    out = jax.ops.segment_sum(msgs, dst, num_segments=N)
    out = out + b
    # --- post-conv ops from the module ---
    out = jax.nn.relu(out)
    # dropout is identity in eval mode (deterministic reference)
    out = jax.nn.softmax(out, axis=1)
    return out

if __name__ == "__main__":
    import jax
    _d = setup_inputs()
    print(jax.jit(kernel)(*tuple(_d.values())))

</pallas_src>

<mosaic_0001>
#map = affine_map<(d0, d1) -> (0, 0)>
#map1 = affine_map<(d0, d1) -> (0, 0, 0)>
module attributes {stable_mosaic.version = 14 : i64} {
  func.func @_agg_kernel(%arg0: i32, %arg1: i32, %arg2: memref<10240x128xf32, #tpu.memory_space<hbm>>, %arg3: memref<10240x128xf32, #tpu.memory_space<hbm>>, %arg4: memref<1280x128xi32, #tpu.memory_space<hbm>>, %arg5: memref<1280x128xi32, #tpu.memory_space<hbm>>, %arg6: memref<2x10240x128xf32, #tpu.memory_space<hbm>>, %arg7: memref<40x128xi32, #tpu.memory_space<vmem>>, %arg8: memref<40x128xi32, #tpu.memory_space<vmem>>, %arg9: memref<128x128xf32, #tpu.memory_space<vmem>>, %arg10: memref<128x128xf32, #tpu.memory_space<vmem>>, %arg11: memref<!tpu.dma_semaphore, #tpu.memory_space<semaphore_mem>>, %arg12: memref<!tpu.dma_semaphore, #tpu.memory_space<semaphore_mem>>, %arg13: memref<10240x128xf32, #tpu.memory_space<vmem_shared>>) attributes {dimension_semantics = [#tpu.dimension_semantics<core_parallel>, #tpu.dimension_semantics<subcore_parallel>], iteration_bounds = array<i64: 2, 16>, scalar_prefetch = 0 : i64, scratch_operands = 7 : i64, tpu.core_type = #tpu.core_type<sc_vector_subcore>, window_params = [{transform_indices = #map}, {transform_indices = #map}, {transform_indices = #map}, {transform_indices = #map}, {transform_indices = #map1}]} {
    %scan3A = arith.constant 0 : i32
    %scan3A_0 = arith.constant 0 : i32
    %scan3A_1 = arith.constant 1024 : i32
    %scan3A_2 = arith.addi %scan3A_0, %scan3A_1 : i32
    %scan3A_3 = arith.constant 1 : i32
    %scan3A_4 = scf.for %scan3A_31 = %scan3A_0 to %scan3A_2 step %scan3A_3 iter_args(%scan3A_32 = %scan3A) -> (i32)  : i32 {
      %jit3A = arith.constant 8 : i32
      %div3A = arith.divsi %scan3A_31, %jit3A : i32
      %sign3A = arith.constant 0 : i32
      %sign3A_33 = arith.cmpi sgt, %scan3A_31, %sign3A : i32
      %sign3A_34 = arith.extui %sign3A_33 : i1 to i32
      %sign3A_35 = arith.constant 0 : i32
      %sign3A_36 = arith.cmpi slt, %scan3A_31, %sign3A_35 : i32
      %sign3A_37 = arith.extui %sign3A_36 : i1 to i32
      %sign3A_38 = arith.subi %sign3A_34, %sign3A_37 : i32
      %sign3A_39 = arith.constant 0 : i32
      %sign3A_40 = arith.cmpi sgt, %jit3A, %sign3A_39 : i32
      %sign3A_41 = arith.extui %sign3A_40 : i1 to i32
      %sign3A_42 = arith.constant 0 : i32
      %sign3A_43 = arith.cmpi slt, %jit3A, %sign3A_42 : i32
      %sign3A_44 = arith.extui %sign3A_43 : i1 to i32
      %sign3A_45 = arith.subi %sign3A_41, %sign3A_44 : i32
      %ne3A = arith.cmpi ne, %sign3A_38, %sign3A_45 : i32
      %rem3A = arith.remsi %scan3A_31, %jit3A : i32
      %ne3A_46 = arith.constant 0 : i32
      %ne3A_47 = arith.cmpi ne, %rem3A, %ne3A_46 : i32
      %and3A = arith.andi %ne3A, %ne3A_47 : i1
      %sub3A = arith.constant 1 : i32
      %sub3A_48 = arith.subi %div3A, %sub3A : i32
      %select_n3A = arith.select %and3A, %sub3A_48, %div3A : i32
      %jit3A_49 = arith.constant 8 : i32
      %eq3A_50 = arith.constant 0 : i32
      %eq3A_51 = arith.cmpi eq, %jit3A_49, %eq3A_50 : i32
      %jit3A_52 = arith.constant 1 : i32
      %select_n3A_53 = arith.select %eq3A_51, %jit3A_52, %jit3A_49 : i32
      %rem3A_54 = arith.remsi %scan3A_31, %select_n3A_53 : i32
      %ne3A_55 = arith.constant 0 : i32
      %ne3A_56 = arith.cmpi ne, %rem3A_54, %ne3A_55 : i32
      %lt3A = arith.constant 0 : i32
      %lt3A_57 = arith.cmpi slt, %rem3A_54, %lt3A : i32
      %lt3A_58 = arith.constant 0 : i32
      %lt3A_59 = arith.cmpi slt, %select_n3A_53, %lt3A_58 : i32
      %ne3A_60 = arith.xori %lt3A_57, %lt3A_59 : i1
      %and3A_61 = arith.andi %ne3A_60, %ne3A_56 : i1
      %add3A_62 = arith.addi %rem3A_54, %select_n3A_53 : i32
      %select_n3A_63 = arith.select %and3A_61, %add3A_62, %rem3A_54 : i32
      %mul3A_64 = arith.constant 16 : i32
      %mul3A_65 = arith.muli %select_n3A_63, %mul3A_64 : i32
      %broadcast_in_dim3A = arith.constant 0.000000e+00 : f32
      %broadcast_in_dim3A_66 = vector.broadcast %broadcast_in_dim3A : f32 to vector<16xf32>
      %swap3A = arith.index_cast %select_n3A : i32 to index
      %swap3A_67 = arith.index_cast %mul3A_65 : i32 to index
      %swap3A_68 = tpu.vector_load %arg9[%swap3A, %swap3A_67] {strides = array<i32>} : memref<128x128xf32, #tpu.memory_space<vmem>>, vector<1x16xf32>,
      %swap3A_69 = vector.shape_cast %swap3A_68 : vector<1x16xf32> to vector<16xf32>
      %swap3A_70 = vector.shape_cast %broadcast_in_dim3A_66 : vector<16xf32> to vector<1x16xf32>
      tpu.vector_store %arg9[%swap3A, %swap3A_67], %swap3A_70 {strides = array<i32>} : memref<128x128xf32, #tpu.memory_space<vmem>>, vector<1x16xf32>,
      %scan3A_71 = arith.constant 0 : i32
      scf.yield %scan3A_71 : i32
    }
    %scan3A_5 = arith.constant 1024 : i32
    %mul3A = arith.constant 640 : i32
    %mul3A_6 = arith.muli %arg1, %mul3A : i32
    %add3A = arith.constant 0 : i32
    %add3A_7 = arith.addi %mul3A_6, %add3A : i32
    "tpu.region"() ({
      %run_scoped3A = tpu.sem_alloc : memref<!tpu.dma_semaphore, #tpu.memory_space<semaphore_mem>>
      %dma_start3A = arith.constant 0 : i32
      %dma_start3A_31 = tpu.memref_slice %arg13[%add3A_7, %dma_start3A] : memref<10240x128xf32, #tpu.memory_space<vmem_shared>> -> memref<128x128xf32, #tpu.memory_space<vmem_shared>>
      %dma_start3A_32 = arith.constant 0 : i32
      %dma_start3A_33 = tpu.memref_slice %arg13[%add3A_7, %dma_start3A_32] : memref<10240x128xf32, #tpu.memory_space<vmem_shared>> -> memref<128x128xf32, #tpu.memory_space<vmem_shared>>
      tpu.enqueue_dma source(%arg9 : memref<128x128xf32, #tpu.memory_space<vmem>>) target(%dma_start3A_33 : memref<128x128xf32, #tpu.memory_space<vmem_shared>>) target_semaphore(%run_scoped3A : memref<!tpu.dma_semaphore, #tpu.memory_space<semaphore_mem>>)
      %dma_wait3A = arith.constant 0 : i32
      %dma_wait3A_34 = tpu.memref_slice %arg13[%add3A_7, %dma_wait3A] : memref<10240x128xf32, #tpu.memory_space<vmem_shared>> -> memref<128x128xf32, #tpu.memory_space<vmem_shared>>
      %dma_wait3A_35 = arith.constant 0 : i32
      %dma_wait3A_36 = tpu.memref_slice %arg13[%add3A_7, %dma_wait3A_35] : memref<10240x128xf32, #tpu.memory_space<vmem_shared>> -> memref<128x128xf32, #tpu.memory_space<vmem_shared>>
      tpu.wait_dma2 semaphore(%run_scoped3A : memref<!tpu.dma_semaphore, #tpu.memory_space<semaphore_mem>>) src(%arg9 : memref<128x128xf32, #tpu.memory_space<vmem>>) dst(%dma_wait3A_36 : memref<128x128xf32, #tpu.memory_space<vmem_shared>>)
      tpu.yield
    }) : () -> ()
    %mul3A_8 = arith.constant 640 : i32
    %mul3A_9 = arith.muli %arg1, %mul3A_8 : i32
    %add3A_10 = arith.constant 128 : i32
    %add3A_11 = arith.addi %mul3A_9, %add3A_10 : i32
    "tpu.region"() ({
      %run_scoped3A = tpu.sem_alloc : memref<!tpu.dma_semaphore, #tpu.memory_space<semaphore_mem>>
      %dma_start3A = arith.constant 0 : i32
      %dma_start3A_31 = tpu.memref_slice %arg13[%add3A_11, %dma_start3A] : memref<10240x128xf32, #tpu.memory_space<vmem_shared>> -> memref<128x128xf32, #tpu.memory_space<vmem_shared>>
      %dma_start3A_32 = arith.constant 0 : i32
      %dma_start3A_33 = tpu.memref_slice %arg13[%add3A_11, %dma_start3A_32] : memref<10240x128xf32, #tpu.memory_space<vmem_shared>> -> memref<128x128xf32, #tpu.memory_space<vmem_shared>>
      tpu.enqueue_dma source(%arg9 : memref<128x128xf32, #tpu.memory_space<vmem>>) target(%dma_start3A_33 : memref<128x128xf32, #tpu.memory_space<vmem_shared>>) target_semaphore(%run_scoped3A : memref<!tpu.dma_semaphore, #tpu.memory_space<semaphore_mem>>)
      %dma_wait3A = arith.constant 0 : i32
      %dma_wait3A_34 = tpu.memref_slice %arg13[%add3A_11, %dma_wait3A] : memref<10240x128xf32, #tpu.memory_space<vmem_shared>> -> memref<128x128xf32, #tpu.memory_space<vmem_shared>>
      %dma_wait3A_35 = arith.constant 0 : i32
      %dma_wait3A_36 = tpu.memref_slice %arg13[%add3A_11, %dma_wait3A_35] : memref<10240x128xf32, #tpu.memory_space<vmem_shared>> -> memref<128x128xf32, #tpu.memory_space<vmem_shared>>
      tpu.wait_dma2 semaphore(%run_scoped3A : memref<!tpu.dma_semaphore, #tpu.memory_space<semaphore_mem>>) src(%arg9 : memref<128x128xf32, #tpu.memory_space<vmem>>) dst(%dma_wait3A_36 : memref<128x128xf32, #tpu.memory_space<vmem_shared>>)
      tpu.yield
    }) : () -> ()
    %mul3A_12 = arith.constant 640 : i32
    %mul3A_13 = arith.muli %arg1, %mul3A_12 : i32
    %add3A_14 = arith.constant 256 : i32
    %add3A_15 = arith.addi %mul3A_13, %add3A_14 : i32
    "tpu.region"() ({
      %run_scoped3A = tpu.sem_alloc : memref<!tpu.dma_semaphore, #tpu.memory_space<semaphore_mem>>
      %dma_start3A = arith.constant 0 : i32
      %dma_start3A_31 = tpu.memref_slice %arg13[%add3A_15, %dma_start3A] : memref<10240x128xf32, #tpu.memory_space<vmem_shared>> -> memref<128x128xf32, #tpu.memory_space<vmem_shared>>
      %dma_start3A_32 = arith.constant 0 : i32
      %dma_start3A_33 = tpu.memref_slice %arg13[%add3A_15, %dma_start3A_32] : memref<10240x128xf32, #tpu.memory_space<vmem_shared>> -> memref<128x128xf32, #tpu.memory_space<vmem_shared>>
      tpu.enqueue_dma source(%arg9 : memref<128x128xf32, #tpu.memory_space<vmem>>) target(%dma_start3A_33 : memref<128x128xf32, #tpu.memory_space<vmem_shared>>) target_semaphore(%run_scoped3A : memref<!tpu.dma_semaphore, #tpu.memory_space<semaphore_mem>>)
      %dma_wait3A = arith.constant 0 : i32
      %dma_wait3A_34 = tpu.memref_slice %arg13[%add3A_15, %dma_wait3A] : memref<10240x128xf32, #tpu.memory_space<vmem_shared>> -> memref<128x128xf32, #tpu.memory_space<vmem_shared>>
      %dma_wait3A_35 = arith.constant 0 : i32
      %dma_wait3A_36 = tpu.memref_slice %arg13[%add3A_15, %dma_wait3A_35] : memref<10240x128xf32, #tpu.memory_space<vmem_shared>> -> memref<128x128xf32, #tpu.memory_space<vmem_shared>>
      tpu.wait_dma2 semaphore(%run_scoped3A : memref<!tpu.dma_semaphore, #tpu.memory_space<semaphore_mem>>) src(%arg9 : memref<128x128xf32, #tpu.memory_space<vmem>>) dst(%dma_wait3A_36 : memref<128x128xf32, #tpu.memory_space<vmem_shared>>)
      tpu.yield
    }) : () -> ()
    %mul3A_16 = arith.constant 640 : i32
    %mul3A_17 = arith.muli %arg1, %mul3A_16 : i32
    %add3A_18 = arith.constant 384 : i32
    %add3A_19 = arith.addi %mul3A_17, %add3A_18 : i32
    "tpu.region"() ({
      %run_scoped3A = tpu.sem_alloc : memref<!tpu.dma_semaphore, #tpu.memory_space<semaphore_mem>>
      %dma_start3A = arith.constant 0 : i32
      %dma_start3A_31 = tpu.memref_slice %arg13[%add3A_19, %dma_start3A] : memref<10240x128xf32, #tpu.memory_space<vmem_shared>> -> memref<128x128xf32, #tpu.memory_space<vmem_shared>>
      %dma_start3A_32 = arith.constant 0 : i32
      %dma_start3A_33 = tpu.memref_slice %arg13[%add3A_19, %dma_start3A_32] : memref<10240x128xf32, #tpu.memory_space<vmem_shared>> -> memref<128x128xf32, #tpu.memory_space<vmem_shared>>
      tpu.enqueue_dma source(%arg9 : memref<128x128xf32, #tpu.memory_space<vmem>>) target(%dma_start3A_33 : memref<128x128xf32, #tpu.memory_space<vmem_shared>>) target_semaphore(%run_scoped3A : memref<!tpu.dma_semaphore, #tpu.memory_space<semaphore_mem>>)
      %dma_wait3A = arith.constant 0 : i32
      %dma_wait3A_34 = tpu.memref_slice %arg13[%add3A_19, %dma_wait3A] : memref<10240x128xf32, #tpu.memory_space<vmem_shared>> -> memref<128x128xf32, #tpu.memory_space<vmem_shared>>
      %dma_wait3A_35 = arith.constant 0 : i32
      %dma_wait3A_36 = tpu.memref_slice %arg13[%add3A_19, %dma_wait3A_35] : memref<10240x128xf32, #tpu.memory_space<vmem_shared>> -> memref<128x128xf32, #tpu.memory_space<vmem_shared>>
      tpu.wait_dma2 semaphore(%run_scoped3A : memref<!tpu.dma_semaphore, #tpu.memory_space<semaphore_mem>>) src(%arg9 : memref<128x128xf32, #tpu.memory_space<vmem>>) dst(%dma_wait3A_36 : memref<128x128xf32, #tpu.memory_space<vmem_shared>>)
      tpu.yield
    }) : () -> ()
    %mul3A_20 = arith.constant 640 : i32
    %mul3A_21 = arith.muli %arg1, %mul3A_20 : i32
    %add3A_22 = arith.constant 512 : i32
    %add3A_23 = arith.addi %mul3A_21, %add3A_22 : i32
    "tpu.region"() ({
      %run_scoped3A = tpu.sem_alloc : memref<!tpu.dma_semaphore, #tpu.memory_space<semaphore_mem>>
      %dma_start3A = arith.constant 0 : i32
      %dma_start3A_31 = tpu.memref_slice %arg13[%add3A_23, %dma_start3A] : memref<10240x128xf32, #tpu.memory_space<vmem_shared>> -> memref<128x128xf32, #tpu.memory_space<vmem_shared>>
      %dma_start3A_32 = arith.constant 0 : i32
      %dma_start3A_33 = tpu.memref_slice %arg13[%add3A_23, %dma_start3A_32] : memref<10240x128xf32, #tpu.memory_space<vmem_shared>> -> memref<128x128xf32, #tpu.memory_space<vmem_shared>>
      tpu.enqueue_dma source(%arg9 : memref<128x128xf32, #tpu.memory_space<vmem>>) target(%dma_start3A_33 : memref<128x128xf32, #tpu.memory_space<vmem_shared>>) target_semaphore(%run_scoped3A : memref<!tpu.dma_semaphore, #tpu.memory_space<semaphore_mem>>)
      %dma_wait3A = arith.constant 0 : i32
      %dma_wait3A_34 = tpu.memref_slice %arg13[%add3A_23, %dma_wait3A] : memref<10240x128xf32, #tpu.memory_space<vmem_shared>> -> memref<128x128xf32, #tpu.memory_space<vmem_shared>>
      %dma_wait3A_35 = arith.constant 0 : i32
      %dma_wait3A_36 = tpu.memref_slice %arg13[%add3A_23, %dma_wait3A_35] : memref<10240x128xf32, #tpu.memory_space<vmem_shared>> -> memref<128x128xf32, #tpu.memory_space<vmem_shared>>
      tpu.wait_dma2 semaphore(%run_scoped3A : memref<!tpu.dma_semaphore, #tpu.memory_space<semaphore_mem>>) src(%arg9 : memref<128x128xf32, #tpu.memory_space<vmem>>) dst(%dma_wait3A_36 : memref<128x128xf32, #tpu.memory_space<vmem_shared>>)
      tpu.yield
    }) : () -> ()
    %barrier3A = arith.constant 0 : index
    tpu.barrier barrier_id(%barrier3A)
    %eq3A = arith.constant 0 : i32
    %eq3A_24 = arith.cmpi eq, %arg0, %eq3A : i32
    %convert_element_type3A = arith.extui %eq3A_24 : i1 to i32
    %cond3A = arith.constant 0 : i32
    %cond3A_25 = arith.cmpi ne, %convert_element_type3A, %cond3A : i32
    scf.if %cond3A_25 {
      %mul3A_31 = arith.constant 80 : i32
      %mul3A_32 = arith.muli %arg1, %mul3A_31 : i32
      %add3A_33 = arith.constant 0 : i32
      %add3A_34 = arith.addi %mul3A_32, %add3A_33 : i32
      "tpu.region"() ({
        %run_scoped3A_93 = tpu.sem_alloc : memref<!tpu.dma_semaphore, #tpu.memory_space<semaphore_mem>>
        %dma_start3A_94 = arith.constant 0 : i32
        %dma_start3A_95 = tpu.memref_slice %arg4[%add3A_34, %dma_start3A_94] : memref<1280x128xi32, #tpu.memory_space<hbm>> -> memref<40x128xi32, #tpu.memory_space<hbm>>
        %dma_start3A_96 = arith.constant 0 : i32
        %dma_start3A_97 = tpu.memref_slice %arg4[%add3A_34, %dma_start3A_96] : memref<1280x128xi32, #tpu.memory_space<hbm>> -> memref<40x128xi32, #tpu.memory_space<hbm>>
        tpu.enqueue_dma source(%dma_start3A_97 : memref<40x128xi32, #tpu.memory_space<hbm>>) target(%arg7 : memref<40x128xi32, #tpu.memory_space<vmem>>) target_semaphore(%run_scoped3A_93 : memref<!tpu.dma_semaphore, #tpu.memory_space<semaphore_mem>>)
        %dma_wait3A = arith.constant 0 : i32
        %dma_wait3A_98 = tpu.memref_slice %arg4[%add3A_34, %dma_wait3A] : memref<1280x128xi32, #tpu.memory_space<hbm>> -> memref<40x128xi32, #tpu.memory_space<hbm>>
        %dma_wait3A_99 = arith.constant 0 : i32
        %dma_wait3A_100 = tpu.memref_slice %arg4[%add3A_34, %dma_wait3A_99] : memref<1280x128xi32, #tpu.memory_space<hbm>> -> memref<40x128xi32, #tpu.memory_space<hbm>>
        tpu.wait_dma2 semaphore(%run_scoped3A_93 : memref<!tpu.dma_semaphore, #tpu.memory_space<semaphore_mem>>) src(%dma_wait3A_100 : memref<40x128xi32, #tpu.memory_space<hbm>>) dst(%arg7 : memref<40x128xi32, #tpu.memory_space<vmem>>)
        tpu.yield
      }) : () -> ()
      %mul3A_35 = arith.constant 80 : i32
      %mul3A_36 = arith.muli %arg1, %mul3A_35 : i32
      %add3A_37 = arith.constant 0 : i32
      %add3A_38 = arith.addi %mul3A_36, %add3A_37 : i32
      "tpu.region"() ({
        %run_scoped3A_93 = tpu.sem_alloc : memref<!tpu.dma_semaphore, #tpu.memory_space<semaphore_mem>>
        %dma_start3A_94 = arith.constant 0 : i32
        %dma_start3A_95 = tpu.memref_slice %arg5[%add3A_38, %dma_start3A_94] : memref<1280x128xi32, #tpu.memory_space<hbm>> -> memref<40x128xi32, #tpu.memory_space<hbm>>
        %dma_start3A_96 = arith.constant 0 : i32
        %dma_start3A_97 = tpu.memref_slice %arg5[%add3A_38, %dma_start3A_96] : memref<1280x128xi32, #tpu.memory_space<hbm>> -> memref<40x128xi32, #tpu.memory_space<hbm>>
        tpu.enqueue_dma source(%dma_start3A_97 : memref<40x128xi32, #tpu.memory_space<hbm>>) target(%arg8 : memref<40x128xi32, #tpu.memory_space<vmem>>) target_semaphore(%run_scoped3A_93 : memref<!tpu.dma_semaphore, #tpu.memory_space<semaphore_mem>>)
        %dma_wait3A = arith.constant 0 : i32
        %dma_wait3A_98 = tpu.memref_slice %arg5[%add3A_38, %dma_wait3A] : memref<1280x128xi32, #tpu.memory_space<hbm>> -> memref<40x128xi32, #tpu.memory_space<hbm>>
        %dma_wait3A_99 = arith.constant 0 : i32
        %dma_wait3A_100 = tpu.memref_slice %arg5[%add3A_38, %dma_wait3A_99] : memref<1280x128xi32, #tpu.memory_space<hbm>> -> memref<40x128xi32, #tpu.memory_space<hbm>>
        tpu.wait_dma2 semaphore(%run_scoped3A_93 : memref<!tpu.dma_semaphore, #tpu.memory_space<semaphore_mem>>) src(%dma_wait3A_100 : memref<40x128xi32, #tpu.memory_space<hbm>>) dst(%arg8 : memref<40x128xi32, #tpu.memory_space<vmem>>)
        tpu.yield
      }) : () -> ()
      %dma_start3A = arith.constant 0 : i32
      %dma_start3A_39 = arith.constant 0 : i32
      %dma_start3A_40 = tpu.memref_slice %arg7[%dma_start3A, %dma_start3A_39] : memref<40x128xi32, #tpu.memory_space<vmem>> -> memref<1x128xi32, #tpu.memory_space<vmem>>
      %dma_start3A_41 = tpu.memref_squeeze %dma_start3A_40 : memref<1x128xi32, #tpu.memory_space<vmem>> -> memref<128xi32, #tpu.memory_space<vmem>>
      %dma_start3A_42 = arith.constant 0 : i32
      %dma_start3A_43 = arith.constant 0 : i32
      %dma_start3A_44 = tpu.memref_slice %arg2[%dma_start3A_42, %dma_start3A_43] : memref<10240x128xf32, #tpu.memory_space<hbm>> -> memref<10240x128xf32, #tpu.memory_space<hbm>>
      tpu.enqueue_indirect_dma source(%dma_start3A_44 : memref<10240x128xf32, #tpu.memory_space<hbm>>) target(%arg9 : memref<128x128xf32, #tpu.memory_space<vmem>>) offsets(%dma_start3A_41 : memref<128xi32, #tpu.memory_space<vmem>>) semaphore(%arg11 : memref<!tpu.dma_semaphore, #tpu.memory_space<semaphore_mem>>)
      %dma_start3A_45 = arith.constant 1 : i32
      %dma_start3A_46 = arith.constant 0 : i32
      %dma_start3A_47 = tpu.memref_slice %arg7[%dma_start3A_45, %dma_start3A_46] : memref<40x128xi32, #tpu.memory_space<vmem>> -> memref<1x128xi32, #tpu.memory_space<vmem>>
      %dma_start3A_48 = tpu.memref_squeeze %dma_start3A_47 : memref<1x128xi32, #tpu.memory_space<vmem>> -> memref<128xi32, #tpu.memory_space<vmem>>
      %dma_start3A_49 = arith.constant 0 : i32
      %dma_start3A_50 = arith.constant 0 : i32
      %dma_start3A_51 = tpu.memref_slice %arg2[%dma_start3A_49, %dma_start3A_50] : memref<10240x128xf32, #tpu.memory_space<hbm>> -> memref<10240x128xf32, #tpu.memory_space<hbm>>
      tpu.enqueue_indirect_dma source(%dma_start3A_51 : memref<10240x128xf32, #tpu.memory_space<hbm>>) target(%arg10 : memref<128x128xf32, #tpu.memory_space<vmem>>) offsets(%dma_start3A_48 : memref<128xi32, #tpu.memory_space<vmem>>) semaphore(%arg12 : memref<!tpu.dma_semaphore, #tpu.memory_space<semaphore_mem>>)
      %scan3A_52 = arith.constant 0 : i32
      %scan3A_53 = arith.constant 0 : i32
      %scan3A_54 = arith.constant 20 : i32
      %scan3A_55 = arith.addi %scan3A_53, %scan3A_54 : i32
      %scan3A_56 = arith.constant 1 : i32
      %scan3A_57 = scf.for %scan3A_93 = %scan3A_53 to %scan3A_55 step %scan3A_56 iter_args(%scan3A_94 = %scan3A_52) -> (i32)  : i32 {
        %mul3A_95 = arith.constant 2 : i32
        %mul3A_96 = arith.muli %scan3A_93, %mul3A_95 : i32
        %add3A_97 = arith.constant 0 : i32
        %add3A_98 = arith.addi %mul3A_96, %add3A_97 : i32
        %dma_wait3A = arith.constant 0 : i32
        %dma_wait3A_99 = tpu.memref_slice %arg7[%add3A_98, %dma_wait3A] : memref<40x128xi32, #tpu.memory_space<vmem>> -> memref<1x128xi32, #tpu.memory_space<vmem>>
        %dma_wait3A_100 = tpu.memref_squeeze %dma_wait3A_99 : memref<1x128xi32, #tpu.memory_space<vmem>> -> memref<128xi32, #tpu.memory_space<vmem>>
        %dma_wait3A_101 = arith.constant 0 : i32
        %dma_wait3A_102 = arith.constant 0 : i32
        %dma_wait3A_103 = tpu.memref_slice %arg2[%dma_wait3A_101, %dma_wait3A_102] : memref<10240x128xf32, #tpu.memory_space<hbm>> -> memref<10240x128xf32, #tpu.memory_space<hbm>>
        tpu.wait_indirect_dma semaphore(%arg11 : memref<!tpu.dma_semaphore, #tpu.memory_space<semaphore_mem>>) src(%dma_wait3A_103 : memref<10240x128xf32, #tpu.memory_space<hbm>>) dst(%arg9 : memref<128x128xf32, #tpu.memory_space<vmem>>)
        "tpu.region"() ({
          %run_scoped3A_128 = tpu.sem_alloc : memref<!tpu.dma_semaphore, #tpu.memory_space<semaphore_mem>>
          %dma_start3A_129 = arith.constant 0 : i32
          %dma_start3A_130 = tpu.memref_slice %arg8[%add3A_98, %dma_start3A_129] : memref<40x128xi32, #tpu.memory_space<vmem>> -> memref<1x128xi32, #tpu.memory_space<vmem>>
          %dma_start3A_131 = tpu.memref_squeeze %dma_start3A_130 : memref<1x128xi32, #tpu.memory_space<vmem>> -> memref<128xi32, #tpu.memory_space<vmem>>
          %dma_start3A_132 = arith.constant 0 : i32
          %dma_start3A_133 = arith.constant 0 : i32
          %dma_start3A_134 = tpu.memref_slice %arg13[%dma_start3A_132, %dma_start3A_133] : memref<10240x128xf32, #tpu.memory_space<vmem_shared>> -> memref<10240x128xf32, #tpu.memory_space<vmem_shared>>
          tpu.enqueue_indirect_dma source(%arg9 : memref<128x128xf32, #tpu.memory_space<vmem>>) target(%dma_start3A_134 : memref<10240x128xf32, #tpu.memory_space<vmem_shared>>) offsets(%dma_start3A_131 : memref<128xi32, #tpu.memory_space<vmem>>) semaphore(%run_scoped3A_128 : memref<!tpu.dma_semaphore, #tpu.memory_space<semaphore_mem>>) {add = true}
          %dma_wait3A_135 = arith.constant 0 : i32
          %dma_wait3A_136 = tpu.memref_slice %arg8[%add3A_98, %dma_wait3A_135] : memref<40x128xi32, #tpu.memory_space<vmem>> -> memref<1x128xi32, #tpu.memory_space<vmem>>
          %dma_wait3A_137 = tpu.memref_squeeze %dma_wait3A_136 : memref<1x128xi32, #tpu.memory_space<vmem>> -> memref<128xi32, #tpu.memory_space<vmem>>
          %dma_wait3A_138 = arith.constant 0 : i32
          %dma_wait3A_139 = arith.constant 0 : i32
          %dma_wait3A_140 = tpu.memref_slice %arg13[%dma_wait3A_138, %dma_wait3A_139] : memref<10240x128xf32, #tpu.memory_space<vmem_shared>> -> memref<10240x128xf32, #tpu.memory_space<vmem_shared>>
          tpu.wait_indirect_dma semaphore(%run_scoped3A_128 : memref<!tpu.dma_semaphore, #tpu.memory_space<semaphore_mem>>) src(%arg9 : memref<128x128xf32, #tpu.memory_space<vmem>>) dst(%dma_wait3A_140 : memref<10240x128xf32, #tpu.memory_space<vmem_shared>>)
          tpu.yield
        }) : () -> ()
        %add3A_104 = arith.constant 2 : i32
        %add3A_105 = arith.addi %add3A_98, %add3A_104 : i32
        %lt3A = arith.constant 40 : i32
        %lt3A_106 = arith.cmpi slt, %add3A_105, %lt3A : i32
        %convert_element_type3A_107 = arith.extui %lt3A_106 : i1 to i32
        %cond3A_108 = arith.constant 0 : i32
        %cond3A_109 = arith.cmpi ne, %convert_element_type3A_107, %cond3A_108 : i32
        scf.if %cond3A_109 {
          %add3A_128 = arith.constant 2 : i32
          %add3A_129 = arith.addi %add3A_98, %add3A_128 : i32
          %dma_start3A_130 = arith.constant 0 : i32
          %dma_start3A_131 = tpu.memref_slice %arg7[%add3A_129, %dma_start3A_130] : memref<40x128xi32, #tpu.memory_space<vmem>> -> memref<1x128xi32, #tpu.memory_space<vmem>>
          %dma_start3A_132 = tpu.memref_squeeze %dma_start3A_131 : memref<1x128xi32, #tpu.memory_space<vmem>> -> memref<128xi32, #tpu.memory_space<vmem>>
          %dma_start3A_133 = arith.constant 0 : i32
          %dma_start3A_134 = arith.constant 0 : i32
          %dma_start3A_135 = tpu.memref_slice %arg2[%dma_start3A_133, %dma_start3A_134] : memref<10240x128xf32, #tpu.memory_space<hbm>> -> memref<10240x128xf32, #tpu.memory_space<hbm>>
          tpu.enqueue_indirect_dma source(%dma_start3A_135 : memref<10240x128xf32, #tpu.memory_space<hbm>>) target(%arg9 : memref<128x128xf32, #tpu.memory_space<vmem>>) offsets(%dma_start3A_132 : memref<128xi32, #tpu.memory_space<vmem>>) semaphore(%arg11 : memref<!tpu.dma_semaphore, #tpu.memory_space<semaphore_mem>>)
        } else {
        }
        %mul3A_110 = arith.constant 2 : i32
        %mul3A_111 = arith.muli %scan3A_93, %mul3A_110 : i32
        %add3A_112 = arith.constant 1 : i32
        %add3A_113 = arith.addi %mul3A_111, %add3A_112 : i32
        %dma_wait3A_114 = arith.constant 0 : i32
        %dma_wait3A_115 = tpu.memref_slice %arg7[%add3A_113, %dma_wait3A_114] : memref<40x128xi32, #tpu.memory_space<vmem>> -> memref<1x128xi32, #tpu.memory_space<vmem>>
        %dma_wait3A_116 = tpu.memref_squeeze %dma_wait3A_115 : memref<1x128xi32, #tpu.memory_space<vmem>> -> memref<128xi32, #tpu.memory_space<vmem>>
        %dma_wait3A_117 = arith.constant 0 : i32
        %dma_wait3A_118 = arith.constant 0 : i32
        %dma_wait3A_119 = tpu.memref_slice %arg2[%dma_wait3A_117, %dma_wait3A_118] : memref<10240x128xf32, #tpu.memory_space<hbm>> -> memref<10240x128xf32, #tpu.memory_space<hbm>>
        tpu.wait_indirect_dma semaphore(%arg12 : memref<!tpu.dma_semaphore, #tpu.memory_space<semaphore_mem>>) src(%dma_wait3A_119 : memref<10240x128xf32, #tpu.memory_space<hbm>>) dst(%arg10 : memref<128x128xf32, #tpu.memory_space<vmem>>)
        "tpu.region"() ({
          %run_scoped3A_128 = tpu.sem_alloc : memref<!tpu.dma_semaphore, #tpu.memory_space<semaphore_mem>>
          %dma_start3A_129 = arith.constant 0 : i32
          %dma_start3A_130 = tpu.memref_slice %arg8[%add3A_113, %dma_start3A_129] : memref<40x128xi32, #tpu.memory_space<vmem>> -> memref<1x128xi32, #tpu.memory_space<vmem>>
          %dma_start3A_131 = tpu.memref_squeeze %dma_start3A_130 : memref<1x128xi32, #tpu.memory_space<vmem>> -> memref<128xi32, #tpu.memory_space<vmem>>
          %dma_start3A_132 = arith.constant 0 : i32
          %dma_start3A_133 = arith.constant 0 : i32
          %dma_start3A_134 = tpu.memref_slice %arg13[%dma_start3A_132, %dma_start3A_133] : memref<10240x128xf32, #tpu.memory_space<vmem_shared>> -> memref<10240x128xf32, #tpu.memory_space<vmem_shared>>
          tpu.enqueue_indirect_dma source(%arg10 : memref<128x128xf32, #tpu.memory_space<vmem>>) target(%dma_start3A_134 : memref<10240x128xf32, #tpu.memory_space<vmem_shared>>) offsets(%dma_start3A_131 : memref<128xi32, #tpu.memory_space<vmem>>) semaphore(%run_scoped3A_128 : memref<!tpu.dma_semaphore, #tpu.memory_space<semaphore_mem>>) {add = true}
          %dma_wait3A_135 = arith.constant 0 : i32
          %dma_wait3A_136 = tpu.memref_slice %arg8[%add3A_113, %dma_wait3A_135] : memref<40x128xi32, #tpu.memory_space<vmem>> -> memref<1x128xi32, #tpu.memory_space<vmem>>
          %dma_wait3A_137 = tpu.memref_squeeze %dma_wait3A_136 : memref<1x128xi32, #tpu.memory_space<vmem>> -> memref<128xi32, #tpu.memory_space<vmem>>
          %dma_wait3A_138 = arith.constant 0 : i32
          %dma_wait3A_139 = arith.constant 0 : i32
          %dma_wait3A_140 = tpu.memref_slice %arg13[%dma_wait3A_138, %dma_wait3A_139] : memref<10240x128xf32, #tpu.memory_space<vmem_shared>> -> memref<10240x128xf32, #tpu.memory_space<vmem_shared>>
          tpu.wait_indirect_dma semaphore(%run_scoped3A_128 : memref<!tpu.dma_semaphore, #tpu.memory_space<semaphore_mem>>) src(%arg10 : memref<128x128xf32, #tpu.memory_space<vmem>>) dst(%dma_wait3A_140 : memref<10240x128xf32, #tpu.memory_space<vmem_shared>>)
          tpu.yield
        }) : () -> ()
        %add3A_120 = arith.constant 2 : i32
        %add3A_121 = arith.addi %add3A_113, %add3A_120 : i32
        %lt3A_122 = arith.constant 40 : i32
        %lt3A_123 = arith.cmpi slt, %add3A_121, %lt3A_122 : i32
        %convert_element_type3A_124 = arith.extui %lt3A_123 : i1 to i32
        %cond3A_125 = arith.constant 0 : i32
        %cond3A_126 = arith.cmpi ne, %convert_element_type3A_124, %cond3A_125 : i32
        scf.if %cond3A_126 {
          %add3A_128 = arith.constant 2 : i32
          %add3A_129 = arith.addi %add3A_113, %add3A_128 : i32
          %dma_start3A_130 = arith.constant 0 : i32
          %dma_start3A_131 = tpu.memref_slice %arg7[%add3A_129, %dma_start3A_130] : memref<40x128xi32, #tpu.memory_space<vmem>> -> memref<1x128xi32, #tpu.memory_space<vmem>>
          %dma_start3A_132 = tpu.memref_squeeze %dma_start3A_131 : memref<1x128xi32, #tpu.memory_space<vmem>> -> memref<128xi32, #tpu.memory_space<vmem>>
          %dma_start3A_133 = arith.constant 0 : i32
          %dma_start3A_134 = arith.constant 0 : i32
          %dma_start3A_135 = tpu.memref_slice %arg2[%dma_start3A_133, %dma_start3A_134] : memref<10240x128xf32, #tpu.memory_space<hbm>> -> memref<10240x128xf32, #tpu.memory_space<hbm>>
          tpu.enqueue_indirect_dma source(%dma_start3A_135 : memref<10240x128xf32, #tpu.memory_space<hbm>>) target(%arg10 : memref<128x128xf32, #tpu.memory_space<vmem>>) offsets(%dma_start3A_132 : memref<128xi32, #tpu.memory_space<vmem>>) semaphore(%arg12 : memref<!tpu.dma_semaphore, #tpu.memory_space<semaphore_mem>>)
        } else {
        }
        %scan3A_127 = arith.constant 0 : i32
        scf.yield %scan3A_127 : i32
      }
      %scan3A_58 = arith.constant 20 : i32
      %mul3A_59 = arith.constant 80 : i32
      %mul3A_60 = arith.muli %arg1, %mul3A_59 : i32
      %add3A_61 = arith.constant 40 : i32
      %add3A_62 = arith.addi %mul3A_60, %add3A_61 : i32
      "tpu.region"() ({
        %run_scoped3A_93 = tpu.sem_alloc : memref<!tpu.dma_semaphore, #tpu.memory_space<semaphore_mem>>
        %dma_start3A_94 = arith.constant 0 : i32
        %dma_start3A_95 = tpu.memref_slice %arg4[%add3A_62, %dma_start3A_94] : memref<1280x128xi32, #tpu.memory_space<hbm>> -> memref<40x128xi32, #tpu.memory_space<hbm>>
        %dma_start3A_96 = arith.constant 0 : i32
        %dma_start3A_97 = tpu.memref_slice %arg4[%add3A_62, %dma_start3A_96] : memref<1280x128xi32, #tpu.memory_space<hbm>> -> memref<40x128xi32, #tpu.memory_space<hbm>>
        tpu.enqueue_dma source(%dma_start3A_97 : memref<40x128xi32, #tpu.memory_space<hbm>>) target(%arg7 : memref<40x128xi32, #tpu.memory_space<vmem>>) target_semaphore(%run_scoped3A_93 : memref<!tpu.dma_semaphore, #tpu.memory_space<semaphore_mem>>)
        %dma_wait3A = arith.constant 0 : i32
        %dma_wait3A_98 = tpu.memref_slice %arg4[%add3A_62, %dma_wait3A] : memref<1280x128xi32, #tpu.memory_space<hbm>> -> memref<40x128xi32, #tpu.memory_space<hbm>>
        %dma_wait3A_99 = arith.constant 0 : i32
        %dma_wait3A_100 = tpu.memref_slice %arg4[%add3A_62, %dma_wait3A_99] : memref<1280x128xi32, #tpu.memory_space<hbm>> -> memref<40x128xi32, #tpu.memory_space<hbm>>
        tpu.wait_dma2 semaphore(%run_scoped3A_93 : memref<!tpu.dma_semaphore, #tpu.memory_space<semaphore_mem>>) src(%dma_wait3A_100 : memref<40x128xi32, #tpu.memory_space<hbm>>) dst(%arg7 : memref<40x128xi32, #tpu.memory_space<vmem>>)
        tpu.yield
      }) : () -> ()
      %mul3A_63 = arith.constant 80 : i32
      %mul3A_64 = arith.muli %arg1, %mul3A_63 : i32
      %add3A_65 = arith.constant 40 : i32
      %add3A_66 = arith.addi %mul3A_64, %add3A_65 : i32
      "tpu.region"() ({
        %run_scoped3A_93 = tpu.sem_alloc : memref<!tpu.dma_semaphore, #tpu.memory_space<semaphore_mem>>
        %dma_start3A_94 = arith.constant 0 : i32
        %dma_start3A_95 = tpu.memref_slice %arg5[%add3A_66, %dma_start3A_94] : memref<1280x128xi32, #tpu.memory_space<hbm>> -> memref<40x128xi32, #tpu.memory_space<hbm>>
        %dma_start3A_96 = arith.constant 0 : i32
        %dma_start3A_97 = tpu.memref_slice %arg5[%add3A_66, %dma_start3A_96] : memref<1280x128xi32, #tpu.memory_space<hbm>> -> memref<40x128xi32, #tpu.memory_space<hbm>>
        tpu.enqueue_dma source(%dma_start3A_97 : memref<40x128xi32, #tpu.memory_space<hbm>>) target(%arg8 : memref<40x128xi32, #tpu.memory_space<vmem>>) target_semaphore(%run_scoped3A_93 : memref<!tpu.dma_semaphore, #tpu.memory_space<semaphore_mem>>)
        %dma_wait3A = arith.constant 0 : i32
        %dma_wait3A_98 = tpu.memref_slice %arg5[%add3A_66, %dma_wait3A] : memref<1280x128xi32, #tpu.memory_space<hbm>> -> memref<40x128xi32, #tpu.memory_space<hbm>>
        %dma_wait3A_99 = arith.constant 0 : i32
        %dma_wait3A_100 = tpu.memref_slice %arg5[%add3A_66, %dma_wait3A_99] : memref<1280x128xi32, #tpu.memory_space<hbm>> -> memref<40x128xi32, #tpu.memory_space<hbm>>
        tpu.wait_dma2 semaphore(%run_scoped3A_93 : memref<!tpu.dma_semaphore, #tpu.memory_space<semaphore_mem>>) src(%dma_wait3A_100 : memref<40x128xi32, #tpu.memory_space<hbm>>) dst(%arg8 : memref<40x128xi32, #tpu.memory_space<vmem>>)
        tpu.yield
      }) : () -> ()
      %dma_start3A_67 = arith.constant 0 : i32
      %dma_start3A_68 = arith.constant 0 : i32
      %dma_start3A_69 = tpu.memref_slice %arg7[%dma_start3A_67, %dma_start3A_68] : memref<40x128xi32, #tpu.memory_space<vmem>> -> memref<1x128xi32, #tpu.memory_space<vmem>>
      %dma_start3A_70 = tpu.memref_squeeze %dma_start3A_69 : memref<1x128xi32, #tpu.memory_space<vmem>> -> memref<128xi32, #tpu.memory_space<vmem>>
      %dma_start3A_71 = arith.constant 0 : i32
      %dma_start3A_72 = arith.constant 0 : i32
      %dma_start3A_73 = tpu.memref_slice %arg2[%dma_start3A_71, %dma_start3A_72] : memref<10240x128xf32, #tpu.memory_space<hbm>> -> memref<10240x128xf32, #tpu.memory_space<hbm>>
      tpu.enqueue_indirect_dma source(%dma_start3A_73 : memref<10240x128xf32, #tpu.memory_space<hbm>>) target(%arg9 : memref<128x128xf32, #tpu.memory_space<vmem>>) offsets(%dma_start3A_70 : memref<128xi32, #tpu.memory_space<vmem>>) semaphore(%arg11 : memref<!tpu.dma_semaphore, #tpu.memory_space<semaphore_mem>>)
      %dma_start3A_74 = arith.constant 1 : i32
      %dma_start3A_75 = arith.constant 0 : i32
      %dma_start3A_76 = tpu.memref_slice %arg7[%dma_start3A_74, %dma_start3A_75] : memref<40x128xi32, #tpu.memory_space<vmem>> -> memref<1x128xi32, #tpu.memory_space<vmem>>
      %dma_start3A_77 = tpu.memref_squeeze %dma_start3A_76 : memref<1x128xi32, #tpu.memory_space<vmem>> -> memref<128xi32, #tpu.memory_space<vmem>>
      %dma_start3A_78 = arith.constant 0 : i32
      %dma_start3A_79 = arith.constant 0 : i32
      %dma_start3A_80 = tpu.memref_slice %arg2[%dma_start3A_78, %dma_start3A_79] : memref<10240x128xf32, #tpu.memory_space<hbm>> -> memref<10240x128xf32, #tpu.memory_space<hbm>>
      tpu.enqueue_indirect_dma source(%dma_start3A_80 : memref<10240x128xf32, #tpu.memory_space<hbm>>) target(%arg10 : memref<128x128xf32, #tpu.memory_space<vmem>>) offsets(%dma_start3A_77 : memref<128xi32, #tpu.memory_space<vmem>>) semaphore(%arg12 : memref<!tpu.dma_semaphore, #tpu.memory_space<semaphore_mem>>)
      %scan3A_81 = arith.constant 0 : i32
      %scan3A_82 = arith.constant 0 : i32
      %scan3A_83 = arith.constant 20 : i32
      %scan3A_84 = arith.addi %scan3A_82, %scan3A_83 : i32
      %scan3A_85 = arith.constant 1 : i32
      %scan3A_86 = scf.for %scan3A_93 = %scan3A_82 to %scan3A_84 step %scan3A_85 iter_args(%scan3A_94 = %scan3A_81) -> (i32)  : i32 {
        %mul3A_95 = arith.constant 2 : i32
        %mul3A_96 = arith.muli %scan3A_93, %mul3A_95 : i32
        %add3A_97 = arith.constant 0 : i32
        %add3A_98 = arith.addi %mul3A_96, %add3A_97 : i32
        %dma_wait3A = arith.constant 0 : i32
        %dma_wait3A_99 = tpu.memref_slice %arg7[%add3A_98, %dma_wait3A] : memref<40x128xi32, #tpu.memory_space<vmem>> -> memref<1x128xi32, #tpu.memory_space<vmem>>
        %dma_wait3A_100 = tpu.memref_squeeze %dma_wait3A_99 : memref<1x128xi32, #tpu.memory_space<vmem>> -> memref<128xi32, #tpu.memory_space<vmem>>
        %dma_wait3A_101 = arith.constant 0 : i32
        %dma_wait3A_102 = arith.constant 0 : i32
        %dma_wait3A_103 = tpu.memref_slice %arg2[%dma_wait3A_101, %dma_wait3A_102] : memref<10240x128xf32, #tpu.memory_space<hbm>> -> memref<10240x128xf32, #tpu.memory_space<hbm>>
        tpu.wait_indirect_dma semaphore(%arg11 : memref<!tpu.dma_semaphore, #tpu.memory_space<semaphore_mem>>) src(%dma_wait3A_103 : memref<10240x128xf32, #tpu.memory_space<hbm>>) dst(%arg9 : memref<128x128xf32, #tpu.memory_space<vmem>>)
        "tpu.region"() ({
          %run_scoped3A_128 = tpu.sem_alloc : memref<!tpu.dma_semaphore, #tpu.memory_space<semaphore_mem>>
          %dma_start3A_129 = arith.constant 0 : i32
          %dma_start3A_130 = tpu.memref_slice %arg8[%add3A_98, %dma_start3A_129] : memref<40x128xi32, #tpu.memory_space<vmem>> -> memref<1x128xi32, #tpu.memory_space<vmem>>
          %dma_start3A_131 = tpu.memref_squeeze %dma_start3A_130 : memref<1x128xi32, #tpu.memory_space<vmem>> -> memref<128xi32, #tpu.memory_space<vmem>>
          %dma_start3A_132 = arith.constant 0 : i32
          %dma_start3A_133 = arith.constant 0 : i32
          %dma_start3A_134 = tpu.memref_slice %arg13[%dma_start3A_132, %dma_start3A_133] : memref<10240x128xf32, #tpu.memory_space<vmem_shared>> -> memref<10240x128xf32, #tpu.memory_space<vmem_shared>>
          tpu.enqueue_indirect_dma source(%arg9 : memref<128x128xf32, #tpu.memory_space<vmem>>) target(%dma_start3A_134 : memref<10240x128xf32, #tpu.memory_space<vmem_shared>>) offsets(%dma_start3A_131 : memref<128xi32, #tpu.memory_space<vmem>>) semaphore(%run_scoped3A_128 : memref<!tpu.dma_semaphore, #tpu.memory_space<semaphore_mem>>) {add = true}
          %dma_wait3A_135 = arith.constant 0 : i32
          %dma_wait3A_136 = tpu.memref_slice %arg8[%add3A_98, %dma_wait3A_135] : memref<40x128xi32, #tpu.memory_space<vmem>> -> memref<1x128xi32, #tpu.memory_space<vmem>>
          %dma_wait3A_137 = tpu.memref_squeeze %dma_wait3A_136 : memref<1x128xi32, #tpu.memory_space<vmem>> -> memref<128xi32, #tpu.memory_space<vmem>>
          %dma_wait3A_138 = arith.constant 0 : i32
          %dma_wait3A_139 = arith.constant 0 : i32
          %dma_wait3A_140 = tpu.memref_slice %arg13[%dma_wait3A_138, %dma_wait3A_139] : memref<10240x128xf32, #tpu.memory_space<vmem_shared>> -> memref<10240x128xf32, #tpu.memory_space<vmem_shared>>
          tpu.wait_indirect_dma semaphore(%run_scoped3A_128 : memref<!tpu.dma_semaphore, #tpu.memory_space<semaphore_mem>>) src(%arg9 : memref<128x128xf32, #tpu.memory_space<vmem>>) dst(%dma_wait3A_140 : memref<10240x128xf32, #tpu.memory_space<vmem_shared>>)
          tpu.yield
        }) : () -> ()
        %add3A_104 = arith.constant 2 : i32
        %add3A_105 = arith.addi %add3A_98, %add3A_104 : i32
        %lt3A = arith.constant 40 : i32
        %lt3A_106 = arith.cmpi slt, %add3A_105, %lt3A : i32
        %convert_element_type3A_107 = arith.extui %lt3A_106 : i1 to i32
        %cond3A_108 = arith.constant 0 : i32
        %cond3A_109 = arith.cmpi ne, %convert_element_type3A_107, %cond3A_108 : i32
        scf.if %cond3A_109 {
          %add3A_128 = arith.constant 2 : i32
          %add3A_129 = arith.addi %add3A_98, %add3A_128 : i32
          %dma_start3A_130 = arith.constant 0 : i32
          %dma_start3A_131 = tpu.memref_slice %arg7[%add3A_129, %dma_start3A_130] : memref<40x128xi32, #tpu.memory_space<vmem>> -> memref<1x128xi32, #tpu.memory_space<vmem>>
          %dma_start3A_132 = tpu.memref_squeeze %dma_start3A_131 : memref<1x128xi32, #tpu.memory_space<vmem>> -> memref<128xi32, #tpu.memory_space<vmem>>
          %dma_start3A_133 = arith.constant 0 : i32
          %dma_start3A_134 = arith.constant 0 : i32
          %dma_start3A_135 = tpu.memref_slice %arg2[%dma_start3A_133, %dma_start3A_134] : memref<10240x128xf32, #tpu.memory_space<hbm>> -> memref<10240x128xf32, #tpu.memory_space<hbm>>
          tpu.enqueue_indirect_dma source(%dma_start3A_135 : memref<10240x128xf32, #tpu.memory_space<hbm>>) target(%arg9 : memref<128x128xf32, #tpu.memory_space<vmem>>) offsets(%dma_start3A_132 : memref<128xi32, #tpu.memory_space<vmem>>) semaphore(%arg11 : memref<!tpu.dma_semaphore, #tpu.memory_space<semaphore_mem>>)
        } else {
        }
        %mul3A_110 = arith.constant 2 : i32
        %mul3A_111 = arith.muli %scan3A_93, %mul3A_110 : i32
        %add3A_112 = arith.constant 1 : i32
        %add3A_113 = arith.addi %mul3A_111, %add3A_112 : i32
        %dma_wait3A_114 = arith.constant 0 : i32
        %dma_wait3A_115 = tpu.memref_slice %arg7[%add3A_113, %dma_wait3A_114] : memref<40x128xi32, #tpu.memory_space<vmem>> -> memref<1x128xi32, #tpu.memory_space<vmem>>
        %dma_wait3A_116 = tpu.memref_squeeze %dma_wait3A_115 : memref<1x128xi32, #tpu.memory_space<vmem>> -> memref<128xi32, #tpu.memory_space<vmem>>
        %dma_wait3A_117 = arith.constant 0 : i32
        %dma_wait3A_118 = arith.constant 0 : i32
        %dma_wait3A_119 = tpu.memref_slice %arg2[%dma_wait3A_117, %dma_wait3A_118] : memref<10240x128xf32, #tpu.memory_space<hbm>> -> memref<10240x128xf32, #tpu.memory_space<hbm>>
        tpu.wait_indirect_dma semaphore(%arg12 : memref<!tpu.dma_semaphore, #tpu.memory_space<semaphore_mem>>) src(%dma_wait3A_119 : memref<10240x128xf32, #tpu.memory_space<hbm>>) dst(%arg10 : memref<128x128xf32, #tpu.memory_space<vmem>>)
        "tpu.region"() ({
          %run_scoped3A_128 = tpu.sem_alloc : memref<!tpu.dma_semaphore, #tpu.memory_space<semaphore_mem>>
          %dma_start3A_129 = arith.constant 0 : i32
          %dma_start3A_130 = tpu.memref_slice %arg8[%add3A_113, %dma_start3A_129] : memref<40x128xi32, #tpu.memory_space<vmem>> -> memref<1x128xi32, #tpu.memory_space<vmem>>
          %dma_start3A_131 = tpu.memref_squeeze %dma_start3A_130 : memref<1x128xi32, #tpu.memory_space<vmem>> -> memref<128xi32, #tpu.memory_space<vmem>>
          %dma_start3A_132 = arith.constant 0 : i32
          %dma_start3A_133 = arith.constant 0 : i32
          %dma_start3A_134 = tpu.memref_slice %arg13[%dma_start3A_132, %dma_start3A_133] : memref<10240x128xf32, #tpu.memory_space<vmem_shared>> -> memref<10240x128xf32, #tpu.memory_space<vmem_shared>>
          tpu.enqueue_indirect_dma source(%arg10 : memref<128x128xf32, #tpu.memory_space<vmem>>) target(%dma_start3A_134 : memref<10240x128xf32, #tpu.memory_space<vmem_shared>>) offsets(%dma_start3A_131 : memref<128xi32, #tpu.memory_space<vmem>>) semaphore(%run_scoped3A_128 : memref<!tpu.dma_semaphore, #tpu.memory_space<semaphore_mem>>) {add = true}
          %dma_wait3A_135 = arith.constant 0 : i32
          %dma_wait3A_136 = tpu.memref_slice %arg8[%add3A_113, %dma_wait3A_135] : memref<40x128xi32, #tpu.memory_space<vmem>> -> memref<1x128xi32, #tpu.memory_space<vmem>>
          %dma_wait3A_137 = tpu.memref_squeeze %dma_wait3A_136 : memref<1x128xi32, #tpu.memory_space<vmem>> -> memref<128xi32, #tpu.memory_space<vmem>>
          %dma_wait3A_138 = arith.constant 0 : i32
          %dma_wait3A_139 = arith.constant 0 : i32
          %dma_wait3A_140 = tpu.memref_slice %arg13[%dma_wait3A_138, %dma_wait3A_139] : memref<10240x128xf32, #tpu.memory_space<vmem_shared>> -> memref<10240x128xf32, #tpu.memory_space<vmem_shared>>
          tpu.wait_indirect_dma semaphore(%run_scoped3A_128 : memref<!tpu.dma_semaphore, #tpu.memory_space<semaphore_mem>>) src(%arg10 : memref<128x128xf32, #tpu.memory_space<vmem>>) dst(%dma_wait3A_140 : memref<10240x128xf32, #tpu.memory_space<vmem_shared>>)
          tpu.yield
        }) : () -> ()
        %add3A_120 = arith.constant 2 : i32
        %add3A_121 = arith.addi %add3A_113, %add3A_120 : i32
        %lt3A_122 = arith.constant 40 : i32
        %lt3A_123 = arith.cmpi slt, %add3A_121, %lt3A_122 : i32
        %convert_element_type3A_124 = arith.extui %lt3A_123 : i1 to i32
        %cond3A_125 = arith.constant 0 : i32
        %cond3A_126 = arith.cmpi ne, %convert_element_type3A_124, %cond3A_125 : i32
        scf.if %cond3A_126 {
          %add3A_128 = arith.constant 2 : i32
          %add3A_129 = arith.addi %add3A_113, %add3A_128 : i32
          %dma_start3A_130 = arith.constant 0 : i32
          %dma_start3A_131 = tpu.memref_slice %arg7[%add3A_129, %dma_start3A_130] : memref<40x128xi32, #tpu.memory_space<vmem>> -> memref<1x128xi32, #tpu.memory_space<vmem>>
          %dma_start3A_132 = tpu.memref_squeeze %dma_start3A_131 : memref<1x128xi32, #tpu.memory_space<vmem>> -> memref<128xi32, #tpu.memory_space<vmem>>
          %dma_start3A_133 = arith.constant 0 : i32
          %dma_start3A_134 = arith.constant 0 : i32
          %dma_start3A_135 = tpu.memref_slice %arg2[%dma_start3A_133, %dma_start3A_134] : memref<10240x128xf32, #tpu.memory_space<hbm>> -> memref<10240x128xf32, #tpu.memory_space<hbm>>
          tpu.enqueue_indirect_dma source(%dma_start3A_135 : memref<10240x128xf32, #tpu.memory_space<hbm>>) target(%arg10 : memref<128x128xf32, #tpu.memory_space<vmem>>) offsets(%dma_start3A_132 : memref<128xi32, #tpu.memory_space<vmem>>) semaphore(%arg12 : memref<!tpu.dma_semaphore, #tpu.memory_space<semaphore_mem>>)
        } else {
        }
        %scan3A_127 = arith.constant 0 : i32
        scf.yield %scan3A_127 : i32
      }
      %scan3A_87 = arith.constant 20 : i32
      %barrier3A_88 = arith.constant 0 : index
      tpu.barrier barrier_id(%barrier3A_88)
      %mul3A_89 = arith.constant 640 : i32
      %mul3A_90 = arith.muli %arg1, %mul3A_89 : i32
      %mul3A_91 = arith.constant 640 : i32
      %mul3A_92 = arith.muli %arg1, %mul3A_91 : i32
      %run_scoped3A = arith.constant 0 : i32
      "tpu.region"() ({
        %run_scoped3A_93 = tpu.sem_alloc : memref<!tpu.dma_semaphore, #tpu.memory_space<semaphore_mem>>
        %dma_start3A_94 = arith.constant 0 : i32
        %dma_start3A_95 = tpu.memref_slice %arg6[%run_scoped3A, %mul3A_92, %dma_start3A_94] : memref<2x10240x128xf32, #tpu.memory_space<hbm>> -> memref<1x640x128xf32, #tpu.memory_space<hbm>>
        %dma_start3A_96 = tpu.memref_squeeze %dma_start3A_95 : memref<1x640x128xf32, #tpu.memory_space<hbm>> -> memref<640x128xf32, #tpu.memory_space<hbm>>
        %dma_start3A_97 = arith.constant 0 : i32
        %dma_start3A_98 = tpu.memref_slice %arg13[%mul3A_90, %dma_start3A_97] : memref<10240x128xf32, #tpu.memory_space<vmem_shared>> -> memref<640x128xf32, #tpu.memory_space<vmem_shared>>
        tpu.enqueue_dma source(%dma_start3A_98 : memref<640x128xf32, #tpu.memory_space<vmem_shared>>) target(%dma_start3A_96 : memref<640x128xf32, #tpu.memory_space<hbm>>) target_semaphore(%run_scoped3A_93 : memref<!tpu.dma_semaphore, #tpu.memory_space<semaphore_mem>>)
        %dma_wait3A = arith.constant 0 : i32
        %dma_wait3A_99 = tpu.memref_slice %arg6[%run_scoped3A, %mul3A_92, %dma_wait3A] : memref<2x10240x128xf32, #tpu.memory_space<hbm>> -> memref<1x640x128xf32, #tpu.memory_space<hbm>>
        %dma_wait3A_100 = tpu.memref_squeeze %dma_wait3A_99 : memref<1x640x128xf32, #tpu.memory_space<hbm>> -> memref<640x128xf32, #tpu.memory_space<hbm>>
        %dma_wait3A_101 = arith.constant 0 : i32
        %dma_wait3A_102 = tpu.memref_slice %arg13[%mul3A_90, %dma_wait3A_101] : memref<10240x128xf32, #tpu.memory_space<vmem_shared>> -> memref<640x128xf32, #tpu.memory_space<vmem_shared>>
        tpu.wait_dma2 semaphore(%run_scoped3A_93 : memref<!tpu.dma_semaphore, #tpu.memory_space<semaphore_mem>>) src(%dma_wait3A_102 : memref<640x128xf32, #tpu.memory_space<vmem_shared>>) dst(%dma_wait3A_100 : memref<640x128xf32, #tpu.memory_space<hbm>>)
        tpu.yield
      }) : () -> ()
    } else {
    }
    %eq3A_26 = arith.constant 1 : i32
    %eq3A_27 = arith.cmpi eq, %arg0, %eq3A_26 : i32
    %convert_element_type3A_28 = arith.extui %eq3A_27 : i1 to i32
    %cond3A_29 = arith.constant 0 : i32
    %cond3A_30 = arith.cmpi ne, %convert_element_type3A_28, %cond3A_29 : i32
    scf.if %cond3A_30 {
      %mul3A_31 = arith.constant 80 : i32
      %mul3A_32 = arith.muli %arg1, %mul3A_31 : i32
      %add3A_33 = arith.constant 0 : i32
      %add3A_34 = arith.addi %mul3A_32, %add3A_33 : i32
      "tpu.region"() ({
        %run_scoped3A_93 = tpu.sem_alloc : memref<!tpu.dma_semaphore, #tpu.memory_space<semaphore_mem>>
        %dma_start3A_94 = arith.constant 0 : i32
        %dma_start3A_95 = tpu.memref_slice %arg4[%add3A_34, %dma_start3A_94] : memref<1280x128xi32, #tpu.memory_space<hbm>> -> memref<40x128xi32, #tpu.memory_space<hbm>>
        %dma_start3A_96 = arith.constant 0 : i32
        %dma_start3A_97 = tpu.memref_slice %arg4[%add3A_34, %dma_start3A_96] : memref<1280x128xi32, #tpu.memory_space<hbm>> -> memref<40x128xi32, #tpu.memory_space<hbm>>
        tpu.enqueue_dma source(%dma_start3A_97 : memref<40x128xi32, #tpu.memory_space<hbm>>) target(%arg7 : memref<40x128xi32, #tpu.memory_space<vmem>>) target_semaphore(%run_scoped3A_93 : memref<!tpu.dma_semaphore, #tpu.memory_space<semaphore_mem>>)
        %dma_wait3A = arith.constant 0 : i32
        %dma_wait3A_98 = tpu.memref_slice %arg4[%add3A_34, %dma_wait3A] : memref<1280x128xi32, #tpu.memory_space<hbm>> -> memref<40x128xi32, #tpu.memory_space<hbm>>
        %dma_wait3A_99 = arith.constant 0 : i32
        %dma_wait3A_100 = tpu.memref_slice %arg4[%add3A_34, %dma_wait3A_99] : memref<1280x128xi32, #tpu.memory_space<hbm>> -> memref<40x128xi32, #tpu.memory_space<hbm>>
        tpu.wait_dma2 semaphore(%run_scoped3A_93 : memref<!tpu.dma_semaphore, #tpu.memory_space<semaphore_mem>>) src(%dma_wait3A_100 : memref<40x128xi32, #tpu.memory_space<hbm>>) dst(%arg7 : memref<40x128xi32, #tpu.memory_space<vmem>>)
        tpu.yield
      }) : () -> ()
      %mul3A_35 = arith.constant 80 : i32
      %mul3A_36 = arith.muli %arg1, %mul3A_35 : i32
      %add3A_37 = arith.constant 0 : i32
      %add3A_38 = arith.addi %mul3A_36, %add3A_37 : i32
      "tpu.region"() ({
        %run_scoped3A_93 = tpu.sem_alloc : memref<!tpu.dma_semaphore, #tpu.memory_space<semaphore_mem>>
        %dma_start3A_94 = arith.constant 0 : i32
        %dma_start3A_95 = tpu.memref_slice %arg5[%add3A_38, %dma_start3A_94] : memref<1280x128xi32, #tpu.memory_space<hbm>> -> memref<40x128xi32, #tpu.memory_space<hbm>>
        %dma_start3A_96 = arith.constant 0 : i32
        %dma_start3A_97 = tpu.memref_slice %arg5[%add3A_38, %dma_start3A_96] : memref<1280x128xi32, #tpu.memory_space<hbm>> -> memref<40x128xi32, #tpu.memory_space<hbm>>
        tpu.enqueue_dma source(%dma_start3A_97 : memref<40x128xi32, #tpu.memory_space<hbm>>) target(%arg8 : memref<40x128xi32, #tpu.memory_space<vmem>>) target_semaphore(%run_scoped3A_93 : memref<!tpu.dma_semaphore, #tpu.memory_space<semaphore_mem>>)
        %dma_wait3A = arith.constant 0 : i32
        %dma_wait3A_98 = tpu.memref_slice %arg5[%add3A_38, %dma_wait3A] : memref<1280x128xi32, #tpu.memory_space<hbm>> -> memref<40x128xi32, #tpu.memory_space<hbm>>
        %dma_wait3A_99 = arith.constant 0 : i32
        %dma_wait3A_100 = tpu.memref_slice %arg5[%add3A_38, %dma_wait3A_99] : memref<1280x128xi32, #tpu.memory_space<hbm>> -> memref<40x128xi32, #tpu.memory_space<hbm>>
        tpu.wait_dma2 semaphore(%run_scoped3A_93 : memref<!tpu.dma_semaphore, #tpu.memory_space<semaphore_mem>>) src(%dma_wait3A_100 : memref<40x128xi32, #tpu.memory_space<hbm>>) dst(%arg8 : memref<40x128xi32, #tpu.memory_space<vmem>>)
        tpu.yield
      }) : () -> ()
      %dma_start3A = arith.constant 0 : i32
      %dma_start3A_39 = arith.constant 0 : i32
      %dma_start3A_40 = tpu.memref_slice %arg7[%dma_start3A, %dma_start3A_39] : memref<40x128xi32, #tpu.memory_space<vmem>> -> memref<1x128xi32, #tpu.memory_space<vmem>>
      %dma_start3A_41 = tpu.memref_squeeze %dma_start3A_40 : memref<1x128xi32, #tpu.memory_space<vmem>> -> memref<128xi32, #tpu.memory_space<vmem>>
      %dma_start3A_42 = arith.constant 0 : i32
      %dma_start3A_43 = arith.constant 0 : i32
      %dma_start3A_44 = tpu.memref_slice %arg3[%dma_start3A_42, %dma_start3A_43] : memref<10240x128xf32, #tpu.memory_space<hbm>> -> memref<10240x128xf32, #tpu.memory_space<hbm>>
      tpu.enqueue_indirect_dma source(%dma_start3A_44 : memref<10240x128xf32, #tpu.memory_space<hbm>>) target(%arg9 : memref<128x128xf32, #tpu.memory_space<vmem>>) offsets(%dma_start3A_41 : memref<128xi32, #tpu.memory_space<vmem>>) semaphore(%arg11 : memref<!tpu.dma_semaphore, #tpu.memory_space<semaphore_mem>>)
      %dma_start3A_45 = arith.constant 1 : i32
      %dma_start3A_46 = arith.constant 0 : i32
      %dma_start3A_47 = tpu.memref_slice %arg7[%dma_start3A_45, %dma_start3A_46] : memref<40x128xi32, #tpu.memory_space<vmem>> -> memref<1x128xi32, #tpu.memory_space<vmem>>
      %dma_start3A_48 = tpu.memref_squeeze %dma_start3A_47 : memref<1x128xi32, #tpu.memory_space<vmem>> -> memref<128xi32, #tpu.memory_space<vmem>>
      %dma_start3A_49 = arith.constant 0 : i32
      %dma_start3A_50 = arith.constant 0 : i32
      %dma_start3A_51 = tpu.memref_slice %arg3[%dma_start3A_49, %dma_start3A_50] : memref<10240x128xf32, #tpu.memory_space<hbm>> -> memref<10240x128xf32, #tpu.memory_space<hbm>>
      tpu.enqueue_indirect_dma source(%dma_start3A_51 : memref<10240x128xf32, #tpu.memory_space<hbm>>) target(%arg10 : memref<128x128xf32, #tpu.memory_space<vmem>>) offsets(%dma_start3A_48 : memref<128xi32, #tpu.memory_space<vmem>>) semaphore(%arg12 : memref<!tpu.dma_semaphore, #tpu.memory_space<semaphore_mem>>)
      %scan3A_52 = arith.constant 0 : i32
      %scan3A_53 = arith.constant 0 : i32
      %scan3A_54 = arith.constant 20 : i32
      %scan3A_55 = arith.addi %scan3A_53, %scan3A_54 : i32
      %scan3A_56 = arith.constant 1 : i32
      %scan3A_57 = scf.for %scan3A_93 = %scan3A_53 to %scan3A_55 step %scan3A_56 iter_args(%scan3A_94 = %scan3A_52) -> (i32)  : i32 {
        %mul3A_95 = arith.constant 2 : i32
        %mul3A_96 = arith.muli %scan3A_93, %mul3A_95 : i32
        %add3A_97 = arith.constant 0 : i32
        %add3A_98 = arith.addi %mul3A_96, %add3A_97 : i32
        %dma_wait3A = arith.constant 0 : i32
        %dma_wait3A_99 = tpu.memref_slice %arg7[%add3A_98, %dma_wait3A] : memref<40x128xi32, #tpu.memory_space<vmem>> -> memref<1x128xi32, #tpu.memory_space<vmem>>
        %dma_wait3A_100 = tpu.memref_squeeze %dma_wait3A_99 : memref<1x128xi32, #tpu.memory_space<vmem>> -> memref<128xi32, #tpu.memory_space<vmem>>
        %dma_wait3A_101 = arith.constant 0 : i32
        %dma_wait3A_102 = arith.constant 0 : i32
        %dma_wait3A_103 = tpu.memref_slice %arg3[%dma_wait3A_101, %dma_wait3A_102] : memref<10240x128xf32, #tpu.memory_space<hbm>> -> memref<10240x128xf32, #tpu.memory_space<hbm>>
        tpu.wait_indirect_dma semaphore(%arg11 : memref<!tpu.dma_semaphore, #tpu.memory_space<semaphore_mem>>) src(%dma_wait3A_103 : memref<10240x128xf32, #tpu.memory_space<hbm>>) dst(%arg9 : memref<128x128xf32, #tpu.memory_space<vmem>>)
        "tpu.region"() ({
          %run_scoped3A_128 = tpu.sem_alloc : memref<!tpu.dma_semaphore, #tpu.memory_space<semaphore_mem>>
          %dma_start3A_129 = arith.constant 0 : i32
          %dma_start3A_130 = tpu.memref_slice %arg8[%add3A_98, %dma_start3A_129] : memref<40x128xi32, #tpu.memory_space<vmem>> -> memref<1x128xi32, #tpu.memory_space<vmem>>
          %dma_start3A_131 = tpu.memref_squeeze %dma_start3A_130 : memref<1x128xi32, #tpu.memory_space<vmem>> -> memref<128xi32, #tpu.memory_space<vmem>>
          %dma_start3A_132 = arith.constant 0 : i32
          %dma_start3A_133 = arith.constant 0 : i32
          %dma_start3A_134 = tpu.memref_slice %arg13[%dma_start3A_132, %dma_start3A_133] : memref<10240x128xf32, #tpu.memory_space<vmem_shared>> -> memref<10240x128xf32, #tpu.memory_space<vmem_shared>>
          tpu.enqueue_indirect_dma source(%arg9 : memref<128x128xf32, #tpu.memory_space<vmem>>) target(%dma_start3A_134 : memref<10240x128xf32, #tpu.memory_space<vmem_shared>>) offsets(%dma_start3A_131 : memref<128xi32, #tpu.memory_space<vmem>>) semaphore(%run_scoped3A_128 : memref<!tpu.dma_semaphore, #tpu.memory_space<semaphore_mem>>) {add = true}
          %dma_wait3A_135 = arith.constant 0 : i32
          %dma_wait3A_136 = tpu.memref_slice %arg8[%add3A_98, %dma_wait3A_135] : memref<40x128xi32, #tpu.memory_space<vmem>> -> memref<1x128xi32, #tpu.memory_space<vmem>>
          %dma_wait3A_137 = tpu.memref_squeeze %dma_wait3A_136 : memref<1x128xi32, #tpu.memory_space<vmem>> -> memref<128xi32, #tpu.memory_space<vmem>>
          %dma_wait3A_138 = arith.constant 0 : i32
          %dma_wait3A_139 = arith.constant 0 : i32
          %dma_wait3A_140 = tpu.memref_slice %arg13[%dma_wait3A_138, %dma_wait3A_139] : memref<10240x128xf32, #tpu.memory_space<vmem_shared>> -> memref<10240x128xf32, #tpu.memory_space<vmem_shared>>
          tpu.wait_indirect_dma semaphore(%run_scoped3A_128 : memref<!tpu.dma_semaphore, #tpu.memory_space<semaphore_mem>>) src(%arg9 : memref<128x128xf32, #tpu.memory_space<vmem>>) dst(%dma_wait3A_140 : memref<10240x128xf32, #tpu.memory_space<vmem_shared>>)
          tpu.yield
        }) : () -> ()
        %add3A_104 = arith.constant 2 : i32
        %add3A_105 = arith.addi %add3A_98, %add3A_104 : i32
        %lt3A = arith.constant 40 : i32
        %lt3A_106 = arith.cmpi slt, %add3A_105, %lt3A : i32
        %convert_element_type3A_107 = arith.extui %lt3A_106 : i1 to i32
        %cond3A_108 = arith.constant 0 : i32
        %cond3A_109 = arith.cmpi ne, %convert_element_type3A_107, %cond3A_108 : i32
        scf.if %cond3A_109 {
          %add3A_128 = arith.constant 2 : i32
          %add3A_129 = arith.addi %add3A_98, %add3A_128 : i32
          %dma_start3A_130 = arith.constant 0 : i32
          %dma_start3A_131 = tpu.memref_slice %arg7[%add3A_129, %dma_start3A_130] : memref<40x128xi32, #tpu.memory_space<vmem>> -> memref<1x128xi32, #tpu.memory_space<vmem>>
          %dma_start3A_132 = tpu.memref_squeeze %dma_start3A_131 : memref<1x128xi32, #tpu.memory_space<vmem>> -> memref<128xi32, #tpu.memory_space<vmem>>
          %dma_start3A_133 = arith.constant 0 : i32
          %dma_start3A_134 = arith.constant 0 : i32
          %dma_start3A_135 = tpu.memref_slice %arg3[%dma_start3A_133, %dma_start3A_134] : memref<10240x128xf32, #tpu.memory_space<hbm>> -> memref<10240x128xf32, #tpu.memory_space<hbm>>
          tpu.enqueue_indirect_dma source(%dma_start3A_135 : memref<10240x128xf32, #tpu.memory_space<hbm>>) target(%arg9 : memref<128x128xf32, #tpu.memory_space<vmem>>) offsets(%dma_start3A_132 : memref<128xi32, #tpu.memory_space<vmem>>) semaphore(%arg11 : memref<!tpu.dma_semaphore, #tpu.memory_space<semaphore_mem>>)
        } else {
        }
        %mul3A_110 = arith.constant 2 : i32
        %mul3A_111 = arith.muli %scan3A_93, %mul3A_110 : i32
        %add3A_112 = arith.constant 1 : i32
        %add3A_113 = arith.addi %mul3A_111, %add3A_112 : i32
        %dma_wait3A_114 = arith.constant 0 : i32
        %dma_wait3A_115 = tpu.memref_slice %arg7[%add3A_113, %dma_wait3A_114] : memref<40x128xi32, #tpu.memory_space<vmem>> -> memref<1x128xi32, #tpu.memory_space<vmem>>
        %dma_wait3A_116 = tpu.memref_squeeze %dma_wait3A_115 : memref<1x128xi32, #tpu.memory_space<vmem>> -> memref<128xi32, #tpu.memory_space<vmem>>
        %dma_wait3A_117 = arith.constant 0 : i32
        %dma_wait3A_118 = arith.constant 0 : i32
        %dma_wait3A_119 = tpu.memref_slice %arg3[%dma_wait3A_117, %dma_wait3A_118] : memref<10240x128xf32, #tpu.memory_space<hbm>> -> memref<10240x128xf32, #tpu.memory_space<hbm>>
        tpu.wait_indirect_dma semaphore(%arg12 : memref<!tpu.dma_semaphore, #tpu.memory_space<semaphore_mem>>) src(%dma_wait3A_119 : memref<10240x128xf32, #tpu.memory_space<hbm>>) dst(%arg10 : memref<128x128xf32, #tpu.memory_space<vmem>>)
        "tpu.region"() ({
          %run_scoped3A_128 = tpu.sem_alloc : memref<!tpu.dma_semaphore, #tpu.memory_space<semaphore_mem>>
          %dma_start3A_129 = arith.constant 0 : i32
          %dma_start3A_130 = tpu.memref_slice %arg8[%add3A_113, %dma_start3A_129] : memref<40x128xi32, #tpu.memory_space<vmem>> -> memref<1x128xi32, #tpu.memory_space<vmem>>
          %dma_start3A_131 = tpu.memref_squeeze %dma_start3A_130 : memref<1x128xi32, #tpu.memory_space<vmem>> -> memref<128xi32, #tpu.memory_space<vmem>>
          %dma_start3A_132 = arith.constant 0 : i32
          %dma_start3A_133 = arith.constant 0 : i32
          %dma_start3A_134 = tpu.memref_slice %arg13[%dma_start3A_132, %dma_start3A_133] : memref<10240x128xf32, #tpu.memory_space<vmem_shared>> -> memref<10240x128xf32, #tpu.memory_space<vmem_shared>>
          tpu.enqueue_indirect_dma source(%arg10 : memref<128x128xf32, #tpu.memory_space<vmem>>) target(%dma_start3A_134 : memref<10240x128xf32, #tpu.memory_space<vmem_shared>>) offsets(%dma_start3A_131 : memref<128xi32, #tpu.memory_space<vmem>>) semaphore(%run_scoped3A_128 : memref<!tpu.dma_semaphore, #tpu.memory_space<semaphore_mem>>) {add = true}
          %dma_wait3A_135 = arith.constant 0 : i32
          %dma_wait3A_136 = tpu.memref_slice %arg8[%add3A_113, %dma_wait3A_135] : memref<40x128xi32, #tpu.memory_space<vmem>> -> memref<1x128xi32, #tpu.memory_space<vmem>>
          %dma_wait3A_137 = tpu.memref_squeeze %dma_wait3A_136 : memref<1x128xi32, #tpu.memory_space<vmem>> -> memref<128xi32, #tpu.memory_space<vmem>>
          %dma_wait3A_138 = arith.constant 0 : i32
          %dma_wait3A_139 = arith.constant 0 : i32
          %dma_wait3A_140 = tpu.memref_slice %arg13[%dma_wait3A_138, %dma_wait3A_139] : memref<10240x128xf32, #tpu.memory_space<vmem_shared>> -> memref<10240x128xf32, #tpu.memory_space<vmem_shared>>
          tpu.wait_indirect_dma semaphore(%run_scoped3A_128 : memref<!tpu.dma_semaphore, #tpu.memory_space<semaphore_mem>>) src(%arg10 : memref<128x128xf32, #tpu.memory_space<vmem>>) dst(%dma_wait3A_140 : memref<10240x128xf32, #tpu.memory_space<vmem_shared>>)
          tpu.yield
        }) : () -> ()
        %add3A_120 = arith.constant 2 : i32
        %add3A_121 = arith.addi %add3A_113, %add3A_120 : i32
        %lt3A_122 = arith.constant 40 : i32
        %lt3A_123 = arith.cmpi slt, %add3A_121, %lt3A_122 : i32
        %convert_element_type3A_124 = arith.extui %lt3A_123 : i1 to i32
        %cond3A_125 = arith.constant 0 : i32
        %cond3A_126 = arith.cmpi ne, %convert_element_type3A_124, %cond3A_125 : i32
        scf.if %cond3A_126 {
          %add3A_128 = arith.constant 2 : i32
          %add3A_129 = arith.addi %add3A_113, %add3A_128 : i32
          %dma_start3A_130 = arith.constant 0 : i32
          %dma_start3A_131 = tpu.memref_slice %arg7[%add3A_129, %dma_start3A_130] : memref<40x128xi32, #tpu.memory_space<vmem>> -> memref<1x128xi32, #tpu.memory_space<vmem>>
          %dma_start3A_132 = tpu.memref_squeeze %dma_start3A_131 : memref<1x128xi32, #tpu.memory_space<vmem>> -> memref<128xi32, #tpu.memory_space<vmem>>
          %dma_start3A_133 = arith.constant 0 : i32
          %dma_start3A_134 = arith.constant 0 : i32
          %dma_start3A_135 = tpu.memref_slice %arg3[%dma_start3A_133, %dma_start3A_134] : memref<10240x128xf32, #tpu.memory_space<hbm>> -> memref<10240x128xf32, #tpu.memory_space<hbm>>
          tpu.enqueue_indirect_dma source(%dma_start3A_135 : memref<10240x128xf32, #tpu.memory_space<hbm>>) target(%arg10 : memref<128x128xf32, #tpu.memory_space<vmem>>) offsets(%dma_start3A_132 : memref<128xi32, #tpu.memory_space<vmem>>) semaphore(%arg12 : memref<!tpu.dma_semaphore, #tpu.memory_space<semaphore_mem>>)
        } else {
        }
        %scan3A_127 = arith.constant 0 : i32
        scf.yield %scan3A_127 : i32
      }
      %scan3A_58 = arith.constant 20 : i32
      %mul3A_59 = arith.constant 80 : i32
      %mul3A_60 = arith.muli %arg1, %mul3A_59 : i32
      %add3A_61 = arith.constant 40 : i32
      %add3A_62 = arith.addi %mul3A_60, %add3A_61 : i32
      "tpu.region"() ({
        %run_scoped3A_93 = tpu.sem_alloc : memref<!tpu.dma_semaphore, #tpu.memory_space<semaphore_mem>>
        %dma_start3A_94 = arith.constant 0 : i32
        %dma_start3A_95 = tpu.memref_slice %arg4[%add3A_62, %dma_start3A_94] : memref<1280x128xi32, #tpu.memory_space<hbm>> -> memref<40x128xi32, #tpu.memory_space<hbm>>
        %dma_start3A_96 = arith.constant 0 : i32
        %dma_start3A_97 = tpu.memref_slice %arg4[%add3A_62, %dma_start3A_96] : memref<1280x128xi32, #tpu.memory_space<hbm>> -> memref<40x128xi32, #tpu.memory_space<hbm>>
        tpu.enqueue_dma source(%dma_start3A_97 : memref<40x128xi32, #tpu.memory_space<hbm>>) target(%arg7 : memref<40x128xi32, #tpu.memory_space<vmem>>) target_semaphore(%run_scoped3A_93 : memref<!tpu.dma_semaphore, #tpu.memory_space<semaphore_mem>>)
        %dma_wait3A = arith.constant 0 : i32
        %dma_wait3A_98 = tpu.memref_slice %arg4[%add3A_62, %dma_wait3A] : memref<1280x128xi32, #tpu.memory_space<hbm>> -> memref<40x128xi32, #tpu.memory_space<hbm>>
        %dma_wait3A_99 = arith.constant 0 : i32
        %dma_wait3A_100 = tpu.memref_slice %arg4[%add3A_62, %dma_wait3A_99] : memref<1280x128xi32, #tpu.memory_space<hbm>> -> memref<40x128xi32, #tpu.memory_space<hbm>>
        tpu.wait_dma2 semaphore(%run_scoped3A_93 : memref<!tpu.dma_semaphore, #tpu.memory_space<semaphore_mem>>) src(%dma_wait3A_100 : memref<40x128xi32, #tpu.memory_space<hbm>>) dst(%arg7 : memref<40x128xi32, #tpu.memory_space<vmem>>)
        tpu.yield
      }) : () -> ()
      %mul3A_63 = arith.constant 80 : i32
      %mul3A_64 = arith.muli %arg1, %mul3A_63 : i32
      %add3A_65 = arith.constant 40 : i32
      %add3A_66 = arith.addi %mul3A_64, %add3A_65 : i32
      "tpu.region"() ({
        %run_scoped3A_93 = tpu.sem_alloc : memref<!tpu.dma_semaphore, #tpu.memory_space<semaphore_mem>>
        %dma_start3A_94 = arith.constant 0 : i32
        %dma_start3A_95 = tpu.memref_slice %arg5[%add3A_66, %dma_start3A_94] : memref<1280x128xi32, #tpu.memory_space<hbm>> -> memref<40x128xi32, #tpu.memory_space<hbm>>
        %dma_start3A_96 = arith.constant 0 : i32
        %dma_start3A_97 = tpu.memref_slice %arg5[%add3A_66, %dma_start3A_96] : memref<1280x128xi32, #tpu.memory_space<hbm>> -> memref<40x128xi32, #tpu.memory_space<hbm>>
        tpu.enqueue_dma source(%dma_start3A_97 : memref<40x128xi32, #tpu.memory_space<hbm>>) target(%arg8 : memref<40x128xi32, #tpu.memory_space<vmem>>) target_semaphore(%run_scoped3A_93 : memref<!tpu.dma_semaphore, #tpu.memory_space<semaphore_mem>>)
        %dma_wait3A = arith.constant 0 : i32
        %dma_wait3A_98 = tpu.memref_slice %arg5[%add3A_66, %dma_wait3A] : memref<1280x128xi32, #tpu.memory_space<hbm>> -> memref<40x128xi32, #tpu.memory_space<hbm>>
        %dma_wait3A_99 = arith.constant 0 : i32
        %dma_wait3A_100 = tpu.memref_slice %arg5[%add3A_66, %dma_wait3A_99] : memref<1280x128xi32, #tpu.memory_space<hbm>> -> memref<40x128xi32, #tpu.memory_space<hbm>>
        tpu.wait_dma2 semaphore(%run_scoped3A_93 : memref<!tpu.dma_semaphore, #tpu.memory_space<semaphore_mem>>) src(%dma_wait3A_100 : memref<40x128xi32, #tpu.memory_space<hbm>>) dst(%arg8 : memref<40x128xi32, #tpu.memory_space<vmem>>)
        tpu.yield
      }) : () -> ()
      %dma_start3A_67 = arith.constant 0 : i32
      %dma_start3A_68 = arith.constant 0 : i32
      %dma_start3A_69 = tpu.memref_slice %arg7[%dma_start3A_67, %dma_start3A_68] : memref<40x128xi32, #tpu.memory_space<vmem>> -> memref<1x128xi32, #tpu.memory_space<vmem>>
      %dma_start3A_70 = tpu.memref_squeeze %dma_start3A_69 : memref<1x128xi32, #tpu.memory_space<vmem>> -> memref<128xi32, #tpu.memory_space<vmem>>
      %dma_start3A_71 = arith.constant 0 : i32
      %dma_start3A_72 = arith.constant 0 : i32
      %dma_start3A_73 = tpu.memref_slice %arg3[%dma_start3A_71, %dma_start3A_72] : memref<10240x128xf32, #tpu.memory_space<hbm>> -> memref<10240x128xf32, #tpu.memory_space<hbm>>
      tpu.enqueue_indirect_dma source(%dma_start3A_73 : memref<10240x128xf32, #tpu.memory_space<hbm>>) target(%arg9 : memref<128x128xf32, #tpu.memory_space<vmem>>) offsets(%dma_start3A_70 : memref<128xi32, #tpu.memory_space<vmem>>) semaphore(%arg11 : memref<!tpu.dma_semaphore, #tpu.memory_space<semaphore_mem>>)
      %dma_start3A_74 = arith.constant 1 : i32
      %dma_start3A_75 = arith.constant 0 : i32
      %dma_start3A_76 = tpu.memref_slice %arg7[%dma_start3A_74, %dma_start3A_75] : memref<40x128xi32, #tpu.memory_space<vmem>> -> memref<1x128xi32, #tpu.memory_space<vmem>>
      %dma_start3A_77 = tpu.memref_squeeze %dma_start3A_76 : memref<1x128xi32, #tpu.memory_space<vmem>> -> memref<128xi32, #tpu.memory_space<vmem>>
      %dma_start3A_78 = arith.constant 0 : i32
      %dma_start3A_79 = arith.constant 0 : i32
      %dma_start3A_80 = tpu.memref_slice %arg3[%dma_start3A_78, %dma_start3A_79] : memref<10240x128xf32, #tpu.memory_space<hbm>> -> memref<10240x128xf32, #tpu.memory_space<hbm>>
      tpu.enqueue_indirect_dma source(%dma_start3A_80 : memref<10240x128xf32, #tpu.memory_space<hbm>>) target(%arg10 : memref<128x128xf32, #tpu.memory_space<vmem>>) offsets(%dma_start3A_77 : memref<128xi32, #tpu.memory_space<vmem>>) semaphore(%arg12 : memref<!tpu.dma_semaphore, #tpu.memory_space<semaphore_mem>>)
      %scan3A_81 = arith.constant 0 : i32
      %scan3A_82 = arith.constant 0 : i32
      %scan3A_83 = arith.constant 20 : i32
      %scan3A_84 = arith.addi %scan3A_82, %scan3A_83 : i32
      %scan3A_85 = arith.constant 1 : i32
      %scan3A_86 = scf.for %scan3A_93 = %scan3A_82 to %scan3A_84 step %scan3A_85 iter_args(%scan3A_94 = %scan3A_81) -> (i32)  : i32 {
        %mul3A_95 = arith.constant 2 : i32
        %mul3A_96 = arith.muli %scan3A_93, %mul3A_95 : i32
        %add3A_97 = arith.constant 0 : i32
        %add3A_98 = arith.addi %mul3A_96, %add3A_97 : i32
        %dma_wait3A = arith.constant 0 : i32
        %dma_wait3A_99 = tpu.memref_slice %arg7[%add3A_98, %dma_wait3A] : memref<40x128xi32, #tpu.memory_space<vmem>> -> memref<1x128xi32, #tpu.memory_space<vmem>>
        %dma_wait3A_100 = tpu.memref_squeeze %dma_wait3A_99 : memref<1x128xi32, #tpu.memory_space<vmem>> -> memref<128xi32, #tpu.memory_space<vmem>>
        %dma_wait3A_101 = arith.constant 0 : i32
        %dma_wait3A_102 = arith.constant 0 : i32
        %dma_wait3A_103 = tpu.memref_slice %arg3[%dma_wait3A_101, %dma_wait3A_102] : memref<10240x128xf32, #tpu.memory_space<hbm>> -> memref<10240x128xf32, #tpu.memory_space<hbm>>
        tpu.wait_indirect_dma semaphore(%arg11 : memref<!tpu.dma_semaphore, #tpu.memory_space<semaphore_mem>>) src(%dma_wait3A_103 : memref<10240x128xf32, #tpu.memory_space<hbm>>) dst(%arg9 : memref<128x128xf32, #tpu.memory_space<vmem>>)
        "tpu.region"() ({
          %run_scoped3A_128 = tpu.sem_alloc : memref<!tpu.dma_semaphore, #tpu.memory_space<semaphore_mem>>
          %dma_start3A_129 = arith.constant 0 : i32
          %dma_start3A_130 = tpu.memref_slice %arg8[%add3A_98, %dma_start3A_129] : memref<40x128xi32, #tpu.memory_space<vmem>> -> memref<1x128xi32, #tpu.memory_space<vmem>>
          %dma_start3A_131 = tpu.memref_squeeze %dma_start3A_130 : memref<1x128xi32, #tpu.memory_space<vmem>> -> memref<128xi32, #tpu.memory_space<vmem>>
          %dma_start3A_132 = arith.constant 0 : i32
          %dma_start3A_133 = arith.constant 0 : i32
          %dma_start3A_134 = tpu.memref_slice %arg13[%dma_start3A_132, %dma_start3A_133] : memref<10240x128xf32, #tpu.memory_space<vmem_shared>> -> memref<10240x128xf32, #tpu.memory_space<vmem_shared>>
          tpu.enqueue_indirect_dma source(%arg9 : memref<128x128xf32, #tpu.memory_space<vmem>>) target(%dma_start3A_134 : memref<10240x128xf32, #tpu.memory_space<vmem_shared>>) offsets(%dma_start3A_131 : memref<128xi32, #tpu.memory_space<vmem>>) semaphore(%run_scoped3A_128 : memref<!tpu.dma_semaphore, #tpu.memory_space<semaphore_mem>>) {add = true}
          %dma_wait3A_135 = arith.constant 0 : i32
          %dma_wait3A_136 = tpu.memref_slice %arg8[%add3A_98, %dma_wait3A_135] : memref<40x128xi32, #tpu.memory_space<vmem>> -> memref<1x128xi32, #tpu.memory_space<vmem>>
          %dma_wait3A_137 = tpu.memref_squeeze %dma_wait3A_136 : memref<1x128xi32, #tpu.memory_space<vmem>> -> memref<128xi32, #tpu.memory_space<vmem>>
          %dma_wait3A_138 = arith.constant 0 : i32
          %dma_wait3A_139 = arith.constant 0 : i32
          %dma_wait3A_140 = tpu.memref_slice %arg13[%dma_wait3A_138, %dma_wait3A_139] : memref<10240x128xf32, #tpu.memory_space<vmem_shared>> -> memref<10240x128xf32, #tpu.memory_space<vmem_shared>>
          tpu.wait_indirect_dma semaphore(%run_scoped3A_128 : memref<!tpu.dma_semaphore, #tpu.memory_space<semaphore_mem>>) src(%arg9 : memref<128x128xf32, #tpu.memory_space<vmem>>) dst(%dma_wait3A_140 : memref<10240x128xf32, #tpu.memory_space<vmem_shared>>)
          tpu.yield
        }) : () -> ()
        %add3A_104 = arith.constant 2 : i32
        %add3A_105 = arith.addi %add3A_98, %add3A_104 : i32
        %lt3A = arith.constant 40 : i32
        %lt3A_106 = arith.cmpi slt, %add3A_105, %lt3A : i32
        %convert_element_type3A_107 = arith.extui %lt3A_106 : i1 to i32
        %cond3A_108 = arith.constant 0 : i32
        %cond3A_109 = arith.cmpi ne, %convert_element_type3A_107, %cond3A_108 : i32
        scf.if %cond3A_109 {
          %add3A_128 = arith.constant 2 : i32
          %add3A_129 = arith.addi %add3A_98, %add3A_128 : i32
          %dma_start3A_130 = arith.constant 0 : i32
          %dma_start3A_131 = tpu.memref_slice %arg7[%add3A_129, %dma_start3A_130] : memref<40x128xi32, #tpu.memory_space<vmem>> -> memref<1x128xi32, #tpu.memory_space<vmem>>
          %dma_start3A_132 = tpu.memref_squeeze %dma_start3A_131 : memref<1x128xi32, #tpu.memory_space<vmem>> -> memref<128xi32, #tpu.memory_space<vmem>>
          %dma_start3A_133 = arith.constant 0 : i32
          %dma_start3A_134 = arith.constant 0 : i32
          %dma_start3A_135 = tpu.memref_slice %arg3[%dma_start3A_133, %dma_start3A_134] : memref<10240x128xf32, #tpu.memory_space<hbm>> -> memref<10240x128xf32, #tpu.memory_space<hbm>>
          tpu.enqueue_indirect_dma source(%dma_start3A_135 : memref<10240x128xf32, #tpu.memory_space<hbm>>) target(%arg9 : memref<128x128xf32, #tpu.memory_space<vmem>>) offsets(%dma_start3A_132 : memref<128xi32, #tpu.memory_space<vmem>>) semaphore(%arg11 : memref<!tpu.dma_semaphore, #tpu.memory_space<semaphore_mem>>)
        } else {
        }
        %mul3A_110 = arith.constant 2 : i32
        %mul3A_111 = arith.muli %scan3A_93, %mul3A_110 : i32
        %add3A_112 = arith.constant 1 : i32
        %add3A_113 = arith.addi %mul3A_111, %add3A_112 : i32
        %dma_wait3A_114 = arith.constant 0 : i32
        %dma_wait3A_115 = tpu.memref_slice %arg7[%add3A_113, %dma_wait3A_114] : memref<40x128xi32, #tpu.memory_space<vmem>> -> memref<1x128xi32, #tpu.memory_space<vmem>>
        %dma_wait3A_116 = tpu.memref_squeeze %dma_wait3A_115 : memref<1x128xi32, #tpu.memory_space<vmem>> -> memref<128xi32, #tpu.memory_space<vmem>>
        %dma_wait3A_117 = arith.constant 0 : i32
        %dma_wait3A_118 = arith.constant 0 : i32
        %dma_wait3A_119 = tpu.memref_slice %arg3[%dma_wait3A_117, %dma_wait3A_118] : memref<10240x128xf32, #tpu.memory_space<hbm>> -> memref<10240x128xf32, #tpu.memory_space<hbm>>
        tpu.wait_indirect_dma semaphore(%arg12 : memref<!tpu.dma_semaphore, #tpu.memory_space<semaphore_mem>>) src(%dma_wait3A_119 : memref<10240x128xf32, #tpu.memory_space<hbm>>) dst(%arg10 : memref<128x128xf32, #tpu.memory_space<vmem>>)
        "tpu.region"() ({
          %run_scoped3A_128 = tpu.sem_alloc : memref<!tpu.dma_semaphore, #tpu.memory_space<semaphore_mem>>
          %dma_start3A_129 = arith.constant 0 : i32
          %dma_start3A_130 = tpu.memref_slice %arg8[%add3A_113, %dma_start3A_129] : memref<40x128xi32, #tpu.memory_space<vmem>> -> memref<1x128xi32, #tpu.memory_space<vmem>>
          %dma_start3A_131 = tpu.memref_squeeze %dma_start3A_130 : memref<1x128xi32, #tpu.memory_space<vmem>> -> memref<128xi32, #tpu.memory_space<vmem>>
          %dma_start3A_132 = arith.constant 0 : i32
          %dma_start3A_133 = arith.constant 0 : i32
          %dma_start3A_134 = tpu.memref_slice %arg13[%dma_start3A_132, %dma_start3A_133] : memref<10240x128xf32, #tpu.memory_space<vmem_shared>> -> memref<10240x128xf32, #tpu.memory_space<vmem_shared>>
          tpu.enqueue_indirect_dma source(%arg10 : memref<128x128xf32, #tpu.memory_space<vmem>>) target(%dma_start3A_134 : memref<10240x128xf32, #tpu.memory_space<vmem_shared>>) offsets(%dma_start3A_131 : memref<128xi32, #tpu.memory_space<vmem>>) semaphore(%run_scoped3A_128 : memref<!tpu.dma_semaphore, #tpu.memory_space<semaphore_mem>>) {add = true}
          %dma_wait3A_135 = arith.constant 0 : i32
          %dma_wait3A_136 = tpu.memref_slice %arg8[%add3A_113, %dma_wait3A_135] : memref<40x128xi32, #tpu.memory_space<vmem>> -> memref<1x128xi32, #tpu.memory_space<vmem>>
          %dma_wait3A_137 = tpu.memref_squeeze %dma_wait3A_136 : memref<1x128xi32, #tpu.memory_space<vmem>> -> memref<128xi32, #tpu.memory_space<vmem>>
          %dma_wait3A_138 = arith.constant 0 : i32
          %dma_wait3A_139 = arith.constant 0 : i32
          %dma_wait3A_140 = tpu.memref_slice %arg13[%dma_wait3A_138, %dma_wait3A_139] : memref<10240x128xf32, #tpu.memory_space<vmem_shared>> -> memref<10240x128xf32, #tpu.memory_space<vmem_shared>>
          tpu.wait_indirect_dma semaphore(%run_scoped3A_128 : memref<!tpu.dma_semaphore, #tpu.memory_space<semaphore_mem>>) src(%arg10 : memref<128x128xf32, #tpu.memory_space<vmem>>) dst(%dma_wait3A_140 : memref<10240x128xf32, #tpu.memory_space<vmem_shared>>)
          tpu.yield
        }) : () -> ()
        %add3A_120 = arith.constant 2 : i32
        %add3A_121 = arith.addi %add3A_113, %add3A_120 : i32
        %lt3A_122 = arith.constant 40 : i32
        %lt3A_123 = arith.cmpi slt, %add3A_121, %lt3A_122 : i32
        %convert_element_type3A_124 = arith.extui %lt3A_123 : i1 to i32
        %cond3A_125 = arith.constant 0 : i32
        %cond3A_126 = arith.cmpi ne, %convert_element_type3A_124, %cond3A_125 : i32
        scf.if %cond3A_126 {
          %add3A_128 = arith.constant 2 : i32
          %add3A_129 = arith.addi %add3A_113, %add3A_128 : i32
          %dma_start3A_130 = arith.constant 0 : i32
          %dma_start3A_131 = tpu.memref_slice %arg7[%add3A_129, %dma_start3A_130] : memref<40x128xi32, #tpu.memory_space<vmem>> -> memref<1x128xi32, #tpu.memory_space<vmem>>
          %dma_start3A_132 = tpu.memref_squeeze %dma_start3A_131 : memref<1x128xi32, #tpu.memory_space<vmem>> -> memref<128xi32, #tpu.memory_space<vmem>>
          %dma_start3A_133 = arith.constant 0 : i32
          %dma_start3A_134 = arith.constant 0 : i32
          %dma_start3A_135 = tpu.memref_slice %arg3[%dma_start3A_133, %dma_start3A_134] : memref<10240x128xf32, #tpu.memory_space<hbm>> -> memref<10240x128xf32, #tpu.memory_space<hbm>>
          tpu.enqueue_indirect_dma source(%dma_start3A_135 : memref<10240x128xf32, #tpu.memory_space<hbm>>) target(%arg10 : memref<128x128xf32, #tpu.memory_space<vmem>>) offsets(%dma_start3A_132 : memref<128xi32, #tpu.memory_space<vmem>>) semaphore(%arg12 : memref<!tpu.dma_semaphore, #tpu.memory_space<semaphore_mem>>)
        } else {
        }
        %scan3A_127 = arith.constant 0 : i32
        scf.yield %scan3A_127 : i32
      }
      %scan3A_87 = arith.constant 20 : i32
      %barrier3A_88 = arith.constant 0 : index
      tpu.barrier barrier_id(%barrier3A_88)
      %mul3A_89 = arith.constant 640 : i32
      %mul3A_90 = arith.muli %arg1, %mul3A_89 : i32
      %mul3A_91 = arith.constant 640 : i32
      %mul3A_92 = arith.muli %arg1, %mul3A_91 : i32
      %run_scoped3A = arith.constant 1 : i32
      "tpu.region"() ({
        %run_scoped3A_93 = tpu.sem_alloc : memref<!tpu.dma_semaphore, #tpu.memory_space<semaphore_mem>>
        %dma_start3A_94 = arith.constant 0 : i32
        %dma_start3A_95 = tpu.memref_slice %arg6[%run_scoped3A, %mul3A_92, %dma_start3A_94] : memref<2x10240x128xf32, #tpu.memory_space<hbm>> -> memref<1x640x128xf32, #tpu.memory_space<hbm>>
        %dma_start3A_96 = tpu.memref_squeeze %dma_start3A_95 : memref<1x640x128xf32, #tpu.memory_space<hbm>> -> memref<640x128xf32, #tpu.memory_space<hbm>>
        %dma_start3A_97 = arith.constant 0 : i32
        %dma_start3A_98 = tpu.memref_slice %arg13[%mul3A_90, %dma_start3A_97] : memref<10240x128xf32, #tpu.memory_space<vmem_shared>> -> memref<640x128xf32, #tpu.memory_space<vmem_shared>>
        tpu.enqueue_dma source(%dma_start3A_98 : memref<640x128xf32, #tpu.memory_space<vmem_shared>>) target(%dma_start3A_96 : memref<640x128xf32, #tpu.memory_space<hbm>>) target_semaphore(%run_scoped3A_93 : memref<!tpu.dma_semaphore, #tpu.memory_space<semaphore_mem>>)
        %dma_wait3A = arith.constant 0 : i32
        %dma_wait3A_99 = tpu.memref_slice %arg6[%run_scoped3A, %mul3A_92, %dma_wait3A] : memref<2x10240x128xf32, #tpu.memory_space<hbm>> -> memref<1x640x128xf32, #tpu.memory_space<hbm>>
        %dma_wait3A_100 = tpu.memref_squeeze %dma_wait3A_99 : memref<1x640x128xf32, #tpu.memory_space<hbm>> -> memref<640x128xf32, #tpu.memory_space<hbm>>
        %dma_wait3A_101 = arith.constant 0 : i32
        %dma_wait3A_102 = tpu.memref_slice %arg13[%mul3A_90, %dma_wait3A_101] : memref<10240x128xf32, #tpu.memory_space<vmem_shared>> -> memref<640x128xf32, #tpu.memory_space<vmem_shared>>
        tpu.wait_dma2 semaphore(%run_scoped3A_93 : memref<!tpu.dma_semaphore, #tpu.memory_space<semaphore_mem>>) src(%dma_wait3A_102 : memref<640x128xf32, #tpu.memory_space<vmem_shared>>) dst(%dma_wait3A_100 : memref<640x128xf32, #tpu.memory_space<hbm>>)
        tpu.yield
      }) : () -> ()
    } else {
    }
    return
  }
}

#map = affine_map<(d0, d1) -> (0, 0)>
module attributes {stable_mosaic.version = 14 : i64} {
  func.func @_deg_kernel(%arg0: i32, %arg1: i32, %arg2: memref<1280x128xi32, #tpu.memory_space<hbm>>, %arg3: memref<2x10240xf32, #tpu.memory_space<hbm>>, %arg4: memref<40x128xi32, #tpu.memory_space<vmem>>, %arg5: memref<128xf32, #tpu.memory_space<vmem>>, %arg6: memref<640xf32, #tpu.memory_space<vmem>>, %arg7: memref<10240xf32, #tpu.memory_space<vmem_shared>>) attributes {dimension_semantics = [#tpu.dimension_semantics<core_parallel>, #tpu.dimension_semantics<subcore_parallel>], iteration_bounds = array<i64: 2, 16>, scalar_prefetch = 0 : i64, scratch_operands = 4 : i64, tpu.core_type = #tpu.core_type<sc_vector_subcore>, window_params = [{transform_indices = #map}, {transform_indices = #map}]} {
    %scan3A = arith.constant 0 : i32
    %scan3A_0 = arith.constant 0 : i32
    %scan3A_1 = arith.constant 8 : i32
    %scan3A_2 = arith.addi %scan3A_0, %scan3A_1 : i32
    %scan3A_3 = arith.constant 1 : i32
    %scan3A_4 = scf.for %scan3A_30 = %scan3A_0 to %scan3A_2 step %scan3A_3 iter_args(%scan3A_31 = %scan3A) -> (i32)  : i32 {
      %broadcast_in_dim3A = arith.constant 1.000000e+00 : f32
      %broadcast_in_dim3A_32 = vector.broadcast %broadcast_in_dim3A : f32 to vector<16xf32>
      %mul3A_33 = arith.constant 16 : i32
      %mul3A_34 = arith.muli %scan3A_30, %mul3A_33 : i32
      %swap3A = arith.index_cast %mul3A_34 : i32 to index
      %swap3A_35 = tpu.vector_load %arg5[%swap3A] {strides = array<i32>} : memref<128xf32, #tpu.memory_space<vmem>>, vector<16xf32>,
      %swap3A_36 = vector.shape_cast %swap3A_35 : vector<16xf32> to vector<16xf32>
      %swap3A_37 = vector.shape_cast %broadcast_in_dim3A_32 : vector<16xf32> to vector<16xf32>
      tpu.vector_store %arg5[%swap3A], %swap3A_37 {strides = array<i32>} : memref<128xf32, #tpu.memory_space<vmem>>, vector<16xf32>,
      %scan3A_38 = arith.constant 0 : i32
      scf.yield %scan3A_38 : i32
    }
    %scan3A_5 = arith.constant 8 : i32
    %scan3A_6 = arith.constant 0 : i32
    %scan3A_7 = arith.constant 0 : i32
    %scan3A_8 = arith.constant 40 : i32
    %scan3A_9 = arith.addi %scan3A_7, %scan3A_8 : i32
    %scan3A_10 = arith.constant 1 : i32
    %scan3A_11 = scf.for %scan3A_30 = %scan3A_7 to %scan3A_9 step %scan3A_10 iter_args(%scan3A_31 = %scan3A_6) -> (i32)  : i32 {
      %broadcast_in_dim3A = arith.constant 0.000000e+00 : f32
      %broadcast_in_dim3A_32 = vector.broadcast %broadcast_in_dim3A : f32 to vector<16xf32>
      %mul3A_33 = arith.constant 16 : i32
      %mul3A_34 = arith.muli %scan3A_30, %mul3A_33 : i32
      %swap3A = arith.index_cast %mul3A_34 : i32 to index
      %swap3A_35 = tpu.vector_load %arg6[%swap3A] {strides = array<i32>} : memref<640xf32, #tpu.memory_space<vmem>>, vector<16xf32>,
      %swap3A_36 = vector.shape_cast %swap3A_35 : vector<16xf32> to vector<16xf32>
      %swap3A_37 = vector.shape_cast %broadcast_in_dim3A_32 : vector<16xf32> to vector<16xf32>
      tpu.vector_store %arg6[%swap3A], %swap3A_37 {strides = array<i32>} : memref<640xf32, #tpu.memory_space<vmem>>, vector<16xf32>,
      %scan3A_38 = arith.constant 0 : i32
      scf.yield %scan3A_38 : i32
    }
    %scan3A_12 = arith.constant 40 : i32
    %mul3A = arith.constant 640 : i32
    %mul3A_13 = arith.muli %arg1, %mul3A : i32
    "tpu.region"() ({
      %run_scoped3A = tpu.sem_alloc : memref<!tpu.dma_semaphore, #tpu.memory_space<semaphore_mem>>
      %dma_start3A = tpu.memref_slice %arg7[%mul3A_13] : memref<10240xf32, #tpu.memory_space<vmem_shared>> -> memref<640xf32, #tpu.memory_space<vmem_shared>>
      %dma_start3A_30 = tpu.memref_slice %arg7[%mul3A_13] : memref<10240xf32, #tpu.memory_space<vmem_shared>> -> memref<640xf32, #tpu.memory_space<vmem_shared>>
      tpu.enqueue_dma source(%arg6 : memref<640xf32, #tpu.memory_space<vmem>>) target(%dma_start3A_30 : memref<640xf32, #tpu.memory_space<vmem_shared>>) target_semaphore(%run_scoped3A : memref<!tpu.dma_semaphore, #tpu.memory_space<semaphore_mem>>)
      %dma_wait3A = tpu.memref_slice %arg7[%mul3A_13] : memref<10240xf32, #tpu.memory_space<vmem_shared>> -> memref<640xf32, #tpu.memory_space<vmem_shared>>
      %dma_wait3A_31 = tpu.memref_slice %arg7[%mul3A_13] : memref<10240xf32, #tpu.memory_space<vmem_shared>> -> memref<640xf32, #tpu.memory_space<vmem_shared>>
      tpu.wait_dma2 semaphore(%run_scoped3A : memref<!tpu.dma_semaphore, #tpu.memory_space<semaphore_mem>>) src(%arg6 : memref<640xf32, #tpu.memory_space<vmem>>) dst(%dma_wait3A_31 : memref<640xf32, #tpu.memory_space<vmem_shared>>)
      tpu.yield
    }) : () -> ()
    %mul3A_14 = arith.constant 640 : i32
    %mul3A_15 = arith.muli %arg0, %mul3A_14 : i32
    %mul3A_16 = arith.constant 40 : i32
    %mul3A_17 = arith.muli %arg1, %mul3A_16 : i32
    %add3A = arith.addi %mul3A_15, %mul3A_17 : i32
    "tpu.region"() ({
      %run_scoped3A = tpu.sem_alloc : memref<!tpu.dma_semaphore, #tpu.memory_space<semaphore_mem>>
      %dma_start3A = arith.constant 0 : i32
      %dma_start3A_30 = tpu.memref_slice %arg2[%add3A, %dma_start3A] : memref<1280x128xi32, #tpu.memory_space<hbm>> -> memref<40x128xi32, #tpu.memory_space<hbm>>
      %dma_start3A_31 = arith.constant 0 : i32
      %dma_start3A_32 = tpu.memref_slice %arg2[%add3A, %dma_start3A_31] : memref<1280x128xi32, #tpu.memory_space<hbm>> -> memref<40x128xi32, #tpu.memory_space<hbm>>
      tpu.enqueue_dma source(%dma_start3A_32 : memref<40x128xi32, #tpu.memory_space<hbm>>) target(%arg4 : memref<40x128xi32, #tpu.memory_space<vmem>>) target_semaphore(%run_scoped3A : memref<!tpu.dma_semaphore, #tpu.memory_space<semaphore_mem>>)
      %dma_wait3A = arith.constant 0 : i32
      %dma_wait3A_33 = tpu.memref_slice %arg2[%add3A, %dma_wait3A] : memref<1280x128xi32, #tpu.memory_space<hbm>> -> memref<40x128xi32, #tpu.memory_space<hbm>>
      %dma_wait3A_34 = arith.constant 0 : i32
      %dma_wait3A_35 = tpu.memref_slice %arg2[%add3A, %dma_wait3A_34] : memref<1280x128xi32, #tpu.memory_space<hbm>> -> memref<40x128xi32, #tpu.memory_space<hbm>>
      tpu.wait_dma2 semaphore(%run_scoped3A : memref<!tpu.dma_semaphore, #tpu.memory_space<semaphore_mem>>) src(%dma_wait3A_35 : memref<40x128xi32, #tpu.memory_space<hbm>>) dst(%arg4 : memref<40x128xi32, #tpu.memory_space<vmem>>)
      tpu.yield
    }) : () -> ()
    %barrier3A = arith.constant 0 : index
    tpu.barrier barrier_id(%barrier3A)
    %scan3A_18 = arith.constant 0 : i32
    %scan3A_19 = arith.constant 0 : i32
    %scan3A_20 = arith.constant 40 : i32
    %scan3A_21 = arith.addi %scan3A_19, %scan3A_20 : i32
    %scan3A_22 = arith.constant 1 : i32
    %scan3A_23 = scf.for %scan3A_30 = %scan3A_19 to %scan3A_21 step %scan3A_22 iter_args(%scan3A_31 = %scan3A_18) -> (i32)  : i32 {
      "tpu.region"() ({
        %run_scoped3A = tpu.sem_alloc : memref<!tpu.dma_semaphore, #tpu.memory_space<semaphore_mem>>
        %dma_start3A = arith.constant 0 : i32
        %dma_start3A_33 = tpu.memref_slice %arg4[%scan3A_30, %dma_start3A] : memref<40x128xi32, #tpu.memory_space<vmem>> -> memref<1x128xi32, #tpu.memory_space<vmem>>
        %dma_start3A_34 = tpu.memref_squeeze %dma_start3A_33 : memref<1x128xi32, #tpu.memory_space<vmem>> -> memref<128xi32, #tpu.memory_space<vmem>>
        %dma_start3A_35 = arith.constant 0 : i32
        %dma_start3A_36 = tpu.memref_slice %arg7[%dma_start3A_35] : memref<10240xf32, #tpu.memory_space<vmem_shared>> -> memref<10240xf32, #tpu.memory_space<vmem_shared>>
        tpu.enqueue_indirect_dma source(%arg5 : memref<128xf32, #tpu.memory_space<vmem>>) target(%dma_start3A_36 : memref<10240xf32, #tpu.memory_space<vmem_shared>>) offsets(%dma_start3A_34 : memref<128xi32, #tpu.memory_space<vmem>>) semaphore(%run_scoped3A : memref<!tpu.dma_semaphore, #tpu.memory_space<semaphore_mem>>) {add = true}
        %dma_wait3A = arith.constant 0 : i32
        %dma_wait3A_37 = tpu.memref_slice %arg4[%scan3A_30, %dma_wait3A] : memref<40x128xi32, #tpu.memory_space<vmem>> -> memref<1x128xi32, #tpu.memory_space<vmem>>
        %dma_wait3A_38 = tpu.memref_squeeze %dma_wait3A_37 : memref<1x128xi32, #tpu.memory_space<vmem>> -> memref<128xi32, #tpu.memory_space<vmem>>
        %dma_wait3A_39 = arith.constant 0 : i32
        %dma_wait3A_40 = tpu.memref_slice %arg7[%dma_wait3A_39] : memref<10240xf32, #tpu.memory_space<vmem_shared>> -> memref<10240xf32, #tpu.memory_space<vmem_shared>>
        tpu.wait_indirect_dma semaphore(%run_scoped3A : memref<!tpu.dma_semaphore, #tpu.memory_space<semaphore_mem>>) src(%arg5 : memref<128xf32, #tpu.memory_space<vmem>>) dst(%dma_wait3A_40 : memref<10240xf32, #tpu.memory_space<vmem_shared>>)
        tpu.yield
      }) : () -> ()
      %scan3A_32 = arith.constant 0 : i32
      scf.yield %scan3A_32 : i32
    }
    %scan3A_24 = arith.constant 40 : i32
    %barrier3A_25 = arith.constant 0 : index
    tpu.barrier barrier_id(%barrier3A_25)
    %mul3A_26 = arith.constant 640 : i32
    %mul3A_27 = arith.muli %arg1, %mul3A_26 : i32
    %mul3A_28 = arith.constant 640 : i32
    %mul3A_29 = arith.muli %arg1, %mul3A_28 : i32
    "tpu.region"() ({
      %run_scoped3A = tpu.sem_alloc : memref<!tpu.dma_semaphore, #tpu.memory_space<semaphore_mem>>
      %dma_start3A = tpu.memref_slice %arg3[%arg0, %mul3A_29] : memref<2x10240xf32, #tpu.memory_space<hbm>> -> memref<1x640xf32, #tpu.memory_space<hbm>>
      %dma_start3A_30 = tpu.memref_squeeze %dma_start3A : memref<1x640xf32, #tpu.memory_space<hbm>> -> memref<640xf32, #tpu.memory_space<hbm>>
      %dma_start3A_31 = tpu.memref_slice %arg7[%mul3A_27] : memref<10240xf32, #tpu.memory_space<vmem_shared>> -> memref<640xf32, #tpu.memory_space<vmem_shared>>
      tpu.enqueue_dma source(%dma_start3A_31 : memref<640xf32, #tpu.memory_space<vmem_shared>>) target(%dma_start3A_30 : memref<640xf32, #tpu.memory_space<hbm>>) target_semaphore(%run_scoped3A : memref<!tpu.dma_semaphore, #tpu.memory_space<semaphore_mem>>)
      %dma_wait3A = tpu.memref_slice %arg3[%arg0, %mul3A_29] : memref<2x10240xf32, #tpu.memory_space<hbm>> -> memref<1x640xf32, #tpu.memory_space<hbm>>
      %dma_wait3A_32 = tpu.memref_squeeze %dma_wait3A : memref<1x640xf32, #tpu.memory_space<hbm>> -> memref<640xf32, #tpu.memory_space<hbm>>
      %dma_wait3A_33 = tpu.memref_slice %arg7[%mul3A_27] : memref<10240xf32, #tpu.memory_space<vmem_shared>> -> memref<640xf32, #tpu.memory_space<vmem_shared>>
      tpu.wait_dma2 semaphore(%run_scoped3A : memref<!tpu.dma_semaphore, #tpu.memory_space<semaphore_mem>>) src(%dma_wait3A_33 : memref<640xf32, #tpu.memory_space<vmem_shared>>) dst(%dma_wait3A_32 : memref<640xf32, #tpu.memory_space<hbm>>)
      tpu.yield
    }) : () -> ()
    return
  }
}

module attributes {stable_mosaic.version = 14 : i64} {
  func.func @_scale_body(%arg0: i32, %arg1: memref<512x256xf32, #tpu.memory_space<vmem>>, %arg2: memref<512x1xf32, #tpu.memory_space<vmem>>, %arg3: memref<512x1xf32, #tpu.memory_space<vmem>>, %arg4: memref<512x128xf32, #tpu.memory_space<vmem>>, %arg5: memref<512x128xf32, #tpu.memory_space<vmem>>, %arg6: memref<512x1xf32, #tpu.memory_space<vmem>>) attributes {dimension_semantics = [#tpu.dimension_semantics<arbitrary>], iteration_bounds = array<i64: 20>, scalar_prefetch = 0 : i64, scratch_operands = 0 : i64, tpu.core_type = #tpu.core_type<tc>, window_params = [{transform_indices = @transform_0, window_bounds = array<i64: 512, 256>}, {transform_indices = @transform_1, window_bounds = array<i64: 512, 1>}, {transform_indices = @transform_2, window_bounds = array<i64: 512, 1>}, {transform_indices = @transform_3, window_bounds = array<i64: 512, 128>}, {transform_indices = @transform_4, window_bounds = array<i64: 512, 128>}, {transform_indices = @transform_5, window_bounds = array<i64: 512, 1>}]} {
    %get3A = arith.constant 0 : index
    %get3A_0 = arith.constant 0 : index
    %get3A_1 = vector.load %arg2[%get3A, %get3A_0] : memref<512x1xf32, #tpu.memory_space<vmem>>, vector<512x1xf32>
    %get3A_2 = arith.constant 0 : index
    %get3A_3 = arith.constant 0 : index
    %get3A_4 = vector.load %arg3[%get3A_2, %get3A_3] : memref<512x1xf32, #tpu.memory_space<vmem>>, vector<512x1xf32>
    %add3A = arith.addf %get3A_1, %get3A_4 : vector<512x1xf32>
    %add3A_5 = arith.constant 1.000000e+00 : f32
    %add3A_6 = vector.broadcast %add3A_5 : f32 to vector<512x1xf32>
    %add3A_7 = arith.addf %add3A, %add3A_6 : vector<512x1xf32>
    %rsqrt3A = math.rsqrt %add3A_7 : vector<512x1xf32>
    %mul3A = arith.constant 512 : i32
    %mul3A_8 = arith.muli %arg0, %mul3A : i32
    %iota3A = tpu.iota {dimensions = array<i32: 0>} : vector<512x1xi32>
    %add3A_9 = vector.broadcast %mul3A_8 : i32 to vector<512x1xi32>
    %add3A_10 = arith.addi %add3A_9, %iota3A : vector<512x1xi32>
    %lt3A = arith.constant 10000 : i32
    %lt3A_11 = vector.broadcast %lt3A : i32 to vector<512x1xi32>
    %lt3A_12 = arith.cmpi slt, %add3A_10, %lt3A_11 : vector<512x1xi32>
    %jit3A = arith.constant 0.000000e+00 : f32
    %broadcast_in_dim3A = vector.broadcast %jit3A : f32 to vector<512x1xf32>
    %select_n3A = arith.select %lt3A_12, %rsqrt3A, %broadcast_in_dim3A : vector<512x1xi1>, vector<512x1xf32>
    %get3A_13 = arith.constant 0 : index
    %get3A_14 = arith.constant 0 : index
    %get3A_15 = vector.load %arg1[%get3A_13, %get3A_14] : memref<512x256xf32, #tpu.memory_space<vmem>>, vector<512x256xf32>
    %mul3A_16 = vector.broadcast %select_n3A : vector<512x1xf32> to vector<512x256xf32>
    %mul3A_17 = arith.mulf %get3A_15, %mul3A_16 : vector<512x256xf32>
    %jit3A_18 = arith.constant 0.000000e+00 : f32
    %broadcast_in_dim3A_19 = vector.shape_cast %lt3A_12 : vector<512x1xi1> to vector<512x1xi1>
    %broadcast_in_dim3A_20 = vector.broadcast %broadcast_in_dim3A_19 : vector<512x1xi1> to vector<512x256xi1>
    %broadcast_in_dim3A_21 = vector.broadcast %jit3A_18 : f32 to vector<512x256xf32>
    %select_n3A_22 = arith.select %broadcast_in_dim3A_20, %mul3A_17, %broadcast_in_dim3A_21 : vector<512x256xi1>, vector<512x256xf32>
    %slice3A = vector.extract_strided_slice %select_n3A_22 {offsets = [0, 0], sizes = [512, 128], strides = [1, 1]} : vector<512x256xf32> to vector<512x128xf32>
    %swap3A = arith.constant 0 : index
    %swap3A_23 = arith.constant 0 : index
    %swap3A_24 = vector.load %arg4[%swap3A, %swap3A_23] : memref<512x128xf32, #tpu.memory_space<vmem>>, vector<512x128xf32>
    tpu.vector_store %arg4[%swap3A, %swap3A_23], %slice3A {strides = array<i32>} : memref<512x128xf32, #tpu.memory_space<vmem>>, vector<512x128xf32>,
    %slice3A_25 = vector.extract_strided_slice %select_n3A_22 {offsets = [0, 128], sizes = [512, 128], strides = [1, 1]} : vector<512x256xf32> to vector<512x128xf32>
    %swap3A_26 = arith.constant 0 : index
    %swap3A_27 = arith.constant 0 : index
    %swap3A_28 = vector.load %arg5[%swap3A_26, %swap3A_27] : memref<512x128xf32, #tpu.memory_space<vmem>>, vector<512x128xf32>
    tpu.vector_store %arg5[%swap3A_26, %swap3A_27], %slice3A_25 {strides = array<i32>} : memref<512x128xf32, #tpu.memory_space<vmem>>, vector<512x128xf32>,
    %swap3A_29 = arith.constant 0 : index
    %swap3A_30 = arith.constant 0 : index
    %swap3A_31 = vector.load %arg6[%swap3A_29, %swap3A_30] : memref<512x1xf32, #tpu.memory_space<vmem>>, vector<512x1xf32>
    tpu.vector_store %arg6[%swap3A_29, %swap3A_30], %select_n3A {strides = array<i32>} : memref<512x1xf32, #tpu.memory_space<vmem>>, vector<512x1xf32>,
    return
  }
  func.func @transform_0(%arg0: i32) -> (i32, i32) {
    %c0_i32 = arith.constant 0 : i32
    %c0_i32_0 = arith.constant 0 : i32
    return %arg0, %c0_i32 : i32, i32
  }
  func.func @transform_1(%arg0: i32) -> (i32, i32) {
    %c0_i32 = arith.constant 0 : i32
    %c0_i32_0 = arith.constant 0 : i32
    return %arg0, %c0_i32 : i32, i32
  }
  func.func @transform_2(%arg0: i32) -> (i32, i32) {
    %c0_i32 = arith.constant 0 : i32
    %c0_i32_0 = arith.constant 0 : i32
    return %arg0, %c0_i32 : i32, i32
  }
  func.func @transform_3(%arg0: i32) -> (i32, i32) {
    %c0_i32 = arith.constant 0 : i32
    %c0_i32_0 = arith.constant 0 : i32
    return %arg0, %c0_i32 : i32, i32
  }
  func.func @transform_4(%arg0: i32) -> (i32, i32) {
    %c0_i32 = arith.constant 0 : i32
    %c0_i32_0 = arith.constant 0 : i32
    return %arg0, %c0_i32 : i32, i32
  }
  func.func @transform_5(%arg0: i32) -> (i32, i32) {
    %c0_i32 = arith.constant 0 : i32
    %c0_i32_0 = arith.constant 0 : i32
    return %arg0, %c0_i32 : i32, i32
  }
}

module attributes {stable_mosaic.version = 14 : i64} {
  func.func @_out_body(%arg0: i32, %arg1: memref<2x512x128xf32, #tpu.memory_space<vmem>>, %arg2: memref<512x256xf32, #tpu.memory_space<vmem>>, %arg3: memref<512x1xf32, #tpu.memory_space<vmem>>, %arg4: memref<256x512xf32, #tpu.memory_space<vmem>>, %arg5: memref<1x512xf32, #tpu.memory_space<vmem>>, %arg6: memref<512x512xf32, #tpu.memory_space<vmem>>) attributes {dimension_semantics = [#tpu.dimension_semantics<arbitrary>], iteration_bounds = array<i64: 20>, scalar_prefetch = 0 : i64, scratch_operands = 0 : i64, tpu.core_type = #tpu.core_type<tc>, window_params = [{transform_indices = @transform_0, window_bounds = array<i64: 2, 512, 128>}, {transform_indices = @transform_1, window_bounds = array<i64: 512, 256>}, {transform_indices = @transform_2, window_bounds = array<i64: 512, 1>}, {pipeline_mode = #tpu.pipeline_mode<synchronous>, transform_indices = @transform_3, window_bounds = array<i64: 256, 512>}, {pipeline_mode = #tpu.pipeline_mode<synchronous>, transform_indices = @transform_4, window_bounds = array<i64: 1, 512>}, {transform_indices = @transform_5, window_bounds = array<i64: 512, 512>}]} {
    %get3A = arith.constant 0 : index
    %get3A_0 = arith.constant 0 : index
    %get3A_1 = vector.load %arg3[%get3A, %get3A_0] : memref<512x1xf32, #tpu.memory_space<vmem>>, vector<512x1xf32>
    %get3A_2 = arith.constant 0 : index
    %get3A_3 = arith.constant 0 : index
    %get3A_4 = arith.constant 0 : index
    %get3A_5 = vector.load %arg1[%get3A_2, %get3A_3, %get3A_4] : memref<2x512x128xf32, #tpu.memory_space<vmem>>, vector<1x512x128xf32>
    %get3A_6 = vector.shape_cast %get3A_5 : vector<1x512x128xf32> to vector<512x128xf32>
    %get3A_7 = arith.constant 1 : index
    %get3A_8 = arith.constant 0 : index
    %get3A_9 = arith.constant 0 : index
    %get3A_10 = vector.load %arg1[%get3A_7, %get3A_8, %get3A_9] : memref<2x512x128xf32, #tpu.memory_space<vmem>>, vector<1x512x128xf32>
    %get3A_11 = vector.shape_cast %get3A_10 : vector<1x512x128xf32> to vector<512x128xf32>
    %concatenate3A = tpu.concatenate %get3A_6, %get3A_11 in 1 : vector<512x128xf32>, vector<512x128xf32> -> vector<512x256xf32>
    %mul3A = vector.broadcast %get3A_1 : vector<512x1xf32> to vector<512x256xf32>
    %mul3A_12 = arith.mulf %concatenate3A, %mul3A : vector<512x256xf32>
    %get3A_13 = arith.constant 0 : index
    %get3A_14 = arith.constant 0 : index
    %get3A_15 = vector.load %arg2[%get3A_13, %get3A_14] : memref<512x256xf32, #tpu.memory_space<vmem>>, vector<512x256xf32>
    %mul3A_16 = arith.mulf %get3A_1, %get3A_1 : vector<512x1xf32>
    %mul3A_17 = vector.broadcast %mul3A_16 : vector<512x1xf32> to vector<512x256xf32>
    %mul3A_18 = arith.mulf %get3A_15, %mul3A_17 : vector<512x256xf32>
    %add3A = arith.addf %mul3A_12, %mul3A_18 : vector<512x256xf32>
    %get3A_19 = arith.constant 0 : index
    %get3A_20 = arith.constant 0 : index
    %get3A_21 = vector.load %arg4[%get3A_19, %get3A_20] : memref<256x512xf32, #tpu.memory_space<vmem>>, vector<256x512xf32>
    %dot_general3A = arith.constant dense<0.000000e+00> : vector<512x512xf32>
    %dot_general3A_22 = tpu.matmul %add3A, %get3A_21, %dot_general3A {dimension_numbers = #tpu.dot_dimension_numbers<[1], [0], [0], [1], [0, 0, 1, 1], [], []>, transpose_lhs_hint = false} : vector<512x256xf32>, vector<256x512xf32>, vector<512x512xf32> -> vector<512x512xf32>
    %get3A_23 = arith.constant 0 : index
    %get3A_24 = arith.constant 0 : index
    %get3A_25 = vector.load %arg5[%get3A_23, %get3A_24] : memref<1x512xf32, #tpu.memory_space<vmem>>, vector<1x512xf32>
    %add3A_26 = vector.broadcast %get3A_25 : vector<1x512xf32> to vector<512x512xf32>
    %add3A_27 = arith.addf %dot_general3A_22, %add3A_26 : vector<512x512xf32>
    %max3A = arith.constant 0.000000e+00 : f32
    %max3A_28 = vector.broadcast %max3A : f32 to vector<512x512xf32>
    %max3A_29 = arith.maximumf %add3A_27, %max3A_28 : vector<512x512xf32>
    %reduce_max3A = arith.constant dense<0xFF800000> : vector<512xf32>
    %reduce_max3A_30 = vector.multi_reduction <maximumf>, %max3A_29, %reduce_max3A [1] : vector<512x512xf32> to vector<512xf32>
    %broadcast_in_dim3A = vector.shape_cast %reduce_max3A_30 : vector<512xf32> to vector<512x1xf32>
    %sub3A = vector.broadcast %broadcast_in_dim3A : vector<512x1xf32> to vector<512x512xf32>
    %sub3A_31 = arith.subf %max3A_29, %sub3A : vector<512x512xf32>
    %exp3A = math.exp %sub3A_31 : vector<512x512xf32>
    %reduce_sum3A = arith.constant dense<0.000000e+00> : vector<512xf32>
    %reduce_sum3A_32 = vector.multi_reduction <add>, %exp3A, %reduce_sum3A [1] : vector<512x512xf32> to vector<512xf32>
    %broadcast_in_dim3A_33 = vector.shape_cast %reduce_sum3A_32 : vector<512xf32> to vector<512x1xf32>
    %div3A = vector.broadcast %broadcast_in_dim3A_33 : vector<512x1xf32> to vector<512x512xf32>
    %div3A_34 = arith.divf %exp3A, %div3A : vector<512x512xf32>
    %swap3A = arith.constant 0 : index
    %swap3A_35 = arith.constant 0 : index
    %swap3A_36 = vector.load %arg6[%swap3A, %swap3A_35] : memref<512x512xf32, #tpu.memory_space<vmem>>, vector<512x512xf32>
    tpu.vector_store %arg6[%swap3A, %swap3A_35], %div3A_34 {strides = array<i32>} : memref<512x512xf32, #tpu.memory_space<vmem>>, vector<512x512xf32>,
    return
  }
  func.func @transform_0(%arg0: i32) -> (i32, i32, i32) {
    %c0_i32 = arith.constant 0 : i32
    %c0_i32_0 = arith.constant 0 : i32
    %c0_i32_1 = arith.constant 0 : i32
    return %c0_i32, %arg0, %c0_i32_0 : i32, i32, i32
  }
  func.func @transform_1(%arg0: i32) -> (i32, i32) {
    %c0_i32 = arith.constant 0 : i32
    %c0_i32_0 = arith.constant 0 : i32
    return %arg0, %c0_i32 : i32, i32
  }
  func.func @transform_2(%arg0: i32) -> (i32, i32) {
    %c0_i32 = arith.constant 0 : i32
    %c0_i32_0 = arith.constant 0 : i32
    return %arg0, %c0_i32 : i32, i32
  }
  func.func @transform_3(%arg0: i32) -> (i32, i32) {
    %c0_i32 = arith.constant 0 : i32
    %c0_i32_0 = arith.constant 0 : i32
    %c0_i32_1 = arith.constant 0 : i32
    return %c0_i32, %c0_i32_0 : i32, i32
  }
  func.func @transform_4(%arg0: i32) -> (i32, i32) {
    %c0_i32 = arith.constant 0 : i32
    %c0_i32_0 = arith.constant 0 : i32
    %c0_i32_1 = arith.constant 0 : i32
    return %c0_i32, %c0_i32_0 : i32, i32
  }
  func.func @transform_5(%arg0: i32) -> (i32, i32) {
    %c0_i32 = arith.constant 0 : i32
    %c0_i32_0 = arith.constant 0 : i32
    return %arg0, %c0_i32 : i32, i32
  }
}

</mosaic_0001>

<sc_bundles>
// kernel: kernel.6.cloned.1.call-start
scs
__scs_entry_jumppad:
0x0: {  	(pc) =	sbr.rel $0x88, $3  }
0x1: {  	(tag) =	ssettag $0x0;
	lr =	simm.s32 $0x1  }
0x2: {  	[smem:$0x3F9D] =	sst lr;
	_ =	strace $0xD0000000  }
0x3: {  	_ = 	snop  }
0x4: {  	_ = 	snop  }
0x5: {  	_ = 	snop  }
0x6: {  	_ = 	snop  }
0x7: {  	_ = 	snop  }
__scs_overlays_trampoline_lowered:
0x8: {  	[smem:$0x3FAC] =	sst s0  }
0x9: {  	[smem:$0x3FAD] =	sst s1  }
0xa: {  	[smem:$0x3FAE] =	sst s2  }
0xb: {  	[smem:$0x3FAF] =	sst s3  }
0xc: {  	[smem:$0x3FB0] =	sst s4  }
0xd: {  	[smem:$0x3FB1] =	sst s5  }
0xe: {  	[smem:$0x3FB2] =	sst s6  }
0xf: {  	[smem:$0x3FB3] =	sst s7  }
0x10: {  	[smem:$0x3FB4] =	sst s8  }
0x11: {  	[smem:$0x3FB5] =	sst s9;
	s0 =	simm.s32 @!p0 $0x0  }
0x12: {  	s1 =	sld [smem:$0x3F9B];
	s0 =	simm.s32 @p0 $0x1  }
0x13: {  	[smem:$0x3FB6] =	sst s0;
	s0 =	simm.s32 @!p1 $0x0  }
0x14: {  	s2 =	sld [smem:$0x3F9A];
	s0 =	simm.s32 @p1 $0x1  }
0x15: {  	[smem:$0x3FB7] =	sst s0;
	s0 =	simm.s32 @!p2 $0x0  }
0x16: {  	s3 =	sld [smem:$0x3FDB];
	s0 =	simm.s32 @p2 $0x1  }
0x17: {  	s4 =	simm.s32 $0x1BF5;
	[smem:$0x3FB9] =	sst s0  }
0x18: {  	s0 =	sld [smem:$0x3F9C];
	_ =	swait.ge [sflag:s4], $0x0  }
0x19: {  	s7 =	sld [smem:$0x3F9D]  }
0x1a: {  	s8 =	sadd.s32 $0xFFFFE003, lr  }
0x1b: {  	s9 =	sadd.s32 $0xFFFFFEF7, lr;
	s5 =	simm.s32 $0xFFFFFFFF;
	p2 =	slt.u32 s8, $0xFFFFF086  }
0x1c: {  	p1 =	slt.u32 s9, $0xF7A;
	s5 =	simm.s32 @!p2 $0x0  }
0x1d: {  	s5 =	simm.s32 @p1 $0x1;
	p0 =	seq.s32 s7, s2  }
0x1e: {  	s7 =	smul.u32 @!p0 $0xF7A, s2;
	p2 =	seq.s32 @!p0 s5, $0x0  }
0x1f: {  	s9 =	smul.u32 $0xF7A, s1;
	s8 =	simm.s32 @!p0 $0x1BF5;
	p2 =	por !p2, p0  }
0x20: {  	[sflag:s8] =	ssyncset.s32 @!p0 $0xFFFFF086;
	s6 =	sadd.s32 @!p0 s3, s7;
	s7 =	simm.s32 @!p0 $0x108  }
0x21: {  	s3 =	sadd.s32 s3, s9;
	s6 =	sadd.s32 @!p0 $0x88, s6;
	s7 =	simm.s32 @p2 $0x1082  }
0x22: {  	[simem:s7], [sflag:s8] =	dma.local @!p0 [hbm:s6], $0xF7A  }
0x23: {  	s9 =	sor.u32 $0xD0000000, s2;
	s6 =	simm.s32 $0x108;
	_ =	swait.ge @!p0 [sflag:s8], $0x0  }
0x24: {  	s3 =	sadd.s32 $0x88, s3;
	s6 =	simm.s32 @!p1 $0x1082;
	[sflag:s4] =	ssyncset.s32 $0xFFFFF086  }
0x25: {  	[simem:s6], [sflag:s4] =	dma.local [hbm:s3], $0xF7A  }
0x26: {  	[smem:$0x3F9D] =	sst s1;
	(tag) =	ssettag s2;
	_ =	strace s9  }
0x27: {  	s1 =	sld [smem:$0x3FAD]  }
0x28: {  	s2 =	sld [smem:$0x3FAE]  }
0x29: {  	s4 =	sld [smem:$0x3FB0]  }
0x2a: {  	p0 =	seq.s32 s5, $0x0;
	s5 =	sld [smem:$0x3FB1]  }
0x2b: {  	s6 =	sld [smem:$0x3FB2]  }
0x2c: {  	s7 =	sld [smem:$0x3FB3]  }
0x2d: {  	s3 =	simm.s32 $0x108;
	s8 =	sld [smem:$0x3FB4]  }
0x2e: {  	s3 =	simm.s32 @!p0 $0x1082;
	s9 =	sld [smem:$0x3FB5]  }
0x2f: {  	lr =	sadd.s32 s0, s3;
	s0 =	sld [smem:$0x3FAC]  }
0x30: {  	s3 =	sld [smem:$0x3FAF]  }
0x31: {  	[smem:$0x3FB8] =	sst s10  }
0x32: {  	s10 =	sld [smem:$0x3FB6];
	_ =	sdelay $0x3  }
0x33: {  	p0 =	seq.s32 s10, $0x1;
	s10 =	sld [smem:$0x3FB8];
	_ =	sdelay $0x3  }
0x34: {  	[smem:$0x3FB8] =	sst s10  }
0x35: {  	s10 =	sld [smem:$0x3FB7];
	_ =	sdelay $0x3  }
0x36: {  	p1 =	seq.s32 s10, $0x1;
	s10 =	sld [smem:$0x3FB8];
	_ =	sdelay $0x3  }
0x37: {  	[smem:$0x3FB8] =	sst s10  }
0x38: {  	s10 =	sld [smem:$0x3FB9]  }
0x39: {  	_ = 	snop;
	(pc) =	sbr.ind lr, $3  }
0x3a: {  	_ = 	snop  }
0x3b: {  	_ = 	snop  }
0x3c: {  	p2 =	seq.s32 s10, $0x1;
	s10 =	sld [smem:$0x3FB8]  }
0x3d: {  	_ =	shalt  }
0x3e: {  	_ =	shalt  }
0x3f: {  	_ =	shalt  }
0x40: {  	_ =	shalt  }
0x41: {  	_ =	shalt  }
0x42: {  	_ =	shalt  }
0x43: {  	_ =	shalt  }
0x44: {  	_ =	shalt  }
0x45: {  	_ =	shalt  }
0x46: {  	_ =	shalt  }
0x47: {  	_ =	shalt  }
0x48: {  	_ =	shalt  }
0x49: {  	_ =	shalt  }
0x4a: {  	_ =	shalt  }
0x4b: {  	_ =	shalt  }
0x4c: {  	_ =	shalt  }
0x4d: {  	_ =	shalt  }
0x4e: {  	_ =	shalt  }
0x4f: {  	_ =	shalt  }
0x50: {  	_ =	shalt  }
0x51: {  	_ =	shalt  }
0x52: {  	_ =	shalt  }
0x53: {  	_ =	shalt  }
0x54: {  	_ =	shalt  }
0x55: {  	_ =	shalt  }
0x56: {  	_ =	shalt  }
0x57: {  	_ =	shalt  }
0x58: {  	_ =	shalt  }
0x59: {  	_ =	shalt  }
0x5a: {  	_ =	shalt  }
0x5b: {  	_ =	shalt  }
0x5c: {  	_ =	shalt  }
0x5d: {  	_ =	shalt  }
0x5e: {  	_ =	shalt  }
0x5f: {  	_ =	shalt  }
0x60: {  	_ =	shalt  }
0x61: {  	_ =	shalt  }
0x62: {  	_ =	shalt  }
0x63: {  	_ =	shalt  }
0x64: {  	_ =	shalt  }
0x65: {  	_ =	shalt  }
0x66: {  	_ =	shalt  }
0x67: {  	_ =	shalt  }
0x68: {  	_ =	shalt  }
0x69: {  	_ =	shalt  }
0x6a: {  	_ =	shalt  }
0x6b: {  	_ =	shalt  }
0x6c: {  	_ =	shalt  }
0x6d: {  	_ =	shalt  }
0x6e: {  	_ =	shalt  }
0x6f: {  	_ =	shalt  }
0x70: {  	_ =	shalt  }
0x71: {  	_ =	shalt  }
0x72: {  	_ =	shalt  }
0x73: {  	_ =	shalt  }
0x74: {  	_ =	shalt  }
0x75: {  	_ =	shalt  }
0x76: {  	_ =	shalt  }
0x77: {  	_ =	shalt  }
0x78: {  	_ =	shalt  }
0x79: {  	_ =	shalt  }
0x7a: {  	_ =	shalt  }
0x7b: {  	_ =	shalt  }
0x7c: {  	_ =	shalt  }
0x7d: {  	_ =	shalt  }
0x7e: {  	_ =	shalt  }
0x7f: {  	_ =	shalt  }
0x80: {  	_ =	shalt  }
0x81: {  	_ =	shalt  }
0x82: {  	_ =	shalt  }
0x83: {  	_ =	shalt  }
0x84: {  	_ =	shalt  }
0x85: {  	_ =	shalt  }
0x86: {  	_ =	shalt  }
0x87: {  	_ =	shalt  }
.Lfunc_end0:
.L_simem_size_0:
called_computation_lowered:
.L_overlay_start_0:
0x88: {  	s2 =	sld [smem:$0x3FD9]  }
0x89: {  	s3 =	sld [smem:$0x3FFE];
	_ =	sdelay $0x1  }
0x8a: {  	s1 =	srdreg.scid  }
0x8b: {  	s0 =	sand.u32 $0x1, s1  }
0x8c: {  	s17 =	sshll.u32 s0, $0xA;
	s2 =	sadd.s32 s3, s2  }
0x8d: {  	s2 =	sadd.s32 s2, s17  }
0x8e: {  	[smem:$0x3FC4] =	sst s2  }
0x8f: {  	_ = 	snop  }
0x90: {  	s2 =	sld [smem:$0x3FD0];
	(tm) =	ssettm $0x1  }
0x91: {  	s18 =	sld [smem:$0x3FFB];
	_ =	sdelay $0x3  }
0x92: {  	_ =	strace s18  }
0x93: {  	s3 =	sld [smem:$0x3FFC];
	_ =	sdelay $0x3  }
0x94: {  	_ =	strace s3  }
0x95: {  	s3 =	sld [smem:$0x3FFD];
	_ =	sdelay $0x3  }
0x96: {  	_ =	strace s3  }
0x97: {  	_ =	strace $0x8FFFFFFF  }
0x98: {  	s19 =	sld [smem:$0x3FDB];
	_ =	sdelay $0x1  }
0x99: {  	s4 =	simm.s32 $_scs_section_size  }
0x9a: {  	s5 =	simm.s32 $_size__tile_overlayer_lowered;
	s6 =	simm.s32 $_tile_overlayer_lowered  }
0x9b: {  	s22 =	simm.s32 $0x1BFF;
	s21 =	sshll.u32 s6, $0x1;
	s3 =	sadd.s32 s4, s19  }
0x9c: {  	s7 =	simm.s32 $0x0;
	s20 =	sshll.u32 s5, $0x1;
	s5 =	sadd.s32 s21, s3  }
0x9d: {  	[timem:s7], [sflag:s22] =	dma.local [hbm:s5], s20  }
0x9e: {  	_ =	swait.ge [sflag:s22], s20  }
0x9f: {  	s4 =	ssub.s32 $0x0, s20;
	[sflag:s22] =	ssyncset.done $0x0  }
0xa0: {  	[sflag:s22] =	ssyncadd.s32 s4;
	_ =	sdelay $0x1  }
0xa1: {  	s23 =	simm.s32 $0x1B8B  }
0xa2: {  	_ =	swait.ge [sflag:s23], $0x1  }
0xa3: {  	[sflag:s23] =	ssyncset.done $0x0  }
0xa4: {  	s25 =	simm.s32 $0x1B8E;
	s24 =	sld [smem:$0x3FFE];
	[sflag:s23] =	ssyncadd.s32 $0xFFFFFFFF  }
0xa5: {  	s26 =	simm.s32 $execute0_lowered;
	[smem:$0x3FD2] =	sst s25  }
0xa6: {  	s5 =	sshll.u32 s26, $0x1;
	_ =	strace $0x80000046;
	[dreg:$0x1] =	wrdreg $0xFFFFFFFF  }
0xa7: {  	s28 =	simm.s32 $_size_execute0_lowered;
	s3 =	sadd.s32 s3, s5;
	[dreg:$0x0] =	wrdreg $0x0  }
0xa8: {  	s5 =	sshll.u32 s28, $0x1;
	[dreg:$0x2] =	wrdreg s3  }
0xa9: {  	[dreg:$0x3] =	wrdreg s5  }
0xaa: {  	[dreg:$0x4] =	wrdreg $0xC0  }
0xab: {  	_ =	task [dreg:s7], $0x5FFFF  }
0xac: {  	[dreg:$0x1] =	wrdreg $0xFFFFFFFF  }
0xad: {  	[dreg:$0x0] =	wrdreg $0x60  }
0xae: {  	[dreg:$0x2] =	wrdreg s24  }
0xaf: {  	[dreg:$0x3] =	wrdreg s2  }
0xb0: {  	[dreg:$0x4] =	wrdreg $0x17000  }
0xb1: {  	[dreg:$0x5] =	wrdreg $0x9  }
0xb2: {  	_ =	task.clear_ibuf [dreg:s7], $0x6FFFF;
	_ =	strace $0x90000046  }
0xb3: {  	s29 =	simm.s32 $0x9;
	_ =	strace $0x80000048  }
0xb4: {  	_ =	swait.ge [sflag:s29], $0x1  }
0xb5: {  	[sflag:s29] =	ssyncadd.s32 $0xFFFFFFFF  }
0xb6: {  	_ =	strace $0x90000048  }
0xb7: {  	_ =	sfence  }
0xb8: {  	s30 =	sld [smem:$0x0];
	_ =	sdelay $0x2  }
0xb9: {  	s31 =	sshll.u32 s1, $0xD;
	s1 =	sshrl.u32 s1, $0x2  }
0xba: {  	s3 =	sand.u32 $0x4000, s31;
	s1 =	sadd.s32 s1, s30  }
0xbb: {  	s0 =	sor.u32 s3, s0;
	s1 =	sshll.u32 s1, $0x11  }
0xbc: {  	s0 =	sor.u32 s1, s0  }
0xbd: {  	s0 =	sadd.s32 $0x8F2B, s0  }
0xbe: {  	[sflag:s0] =	ssyncadd.remote.s32 $0x1  }
0xbf: {  	_ =	sfence.sel $0xFFFF  }
0xc0: {  	[dreg:$0x0] =	wrdreg $0xFFFFFFFF;
	(pc) =	sbr.abs _section_cstart, $3  }
0xc1: {  	[dreg:$0x1] =	wrdreg $0xFFFFFFFF  }
0xc2: {  	_ =	task.clear_ibuf [dreg:s7], $0x2FFFF;
	_ =	strace $0x9FFFFFFF  }
0xc3: {  	(tm) =	ssettm $0x7FFFFFFF  }
tec
execute0_lowered:
.L_overlay_start_1:
0x0: {  	(tag) =	ssettag $0x1  }
0x1: {  	s4 =	rddreg [dreg:$0x0]  }
0x2: {  	s6 =	rddreg [dreg:$0x1]  }
0x3: {  	s1 =	rddreg [dreg:$0x2];
	s2 =	srdreg.scid  }
0x4: {  	s0 =	rddreg [dreg:$0x3];
	s3 =	simm.s32 $0x0;
	s5 =	sand.u32 $0x1, s2  }
0x5: {  	s11 =	simm.s32 $0x1400;
	s2 =	stileid.u32;
	s7 =	smul.u32 $0x2800, s5  }
0x6: {  	s14 =	simm.s32 $0x20;
	s15 =	simm.s32 $0x10;
	s8 =	smul.u32 $0x280, s2  }
0x7: {  	s16 =	simm.s32 $0x0;
	[smem:$0x7FF] =	sst s3;
	s9 =	smul.u32 $0xA00, s2  }
0x8: {  	_ =	strace $0x80000047;
	s26 =	ssub.s32 $0x2, s5;
	s10 =	smul.u32 $0x500, s2  }
0x9: {  	s5 =	sshll.u32 s5, $0x7;
	s12 =	sshll.u32 s2, $0x6;
	s28 =	sshrl.u32 s26, $0x1  }
0xa: {  	s12 =	sor.u32 $0x1C01, s12;
	s7 =	sadd.s32 s8, s7;
	s8 =	ssub.s32 s26, s28  }
0xb: {  	s29 =	sshrl.u32 s9, $0x2;
	s30 =	sor.u32 s5, s10;
	s9 =	simm.s32 $0x1  }
0xc: {  	s10 =	simm.s32 $0x80;
	s7 =	sadd.s32 s7, s4;
	s31 =	sshrl.u32 s30, $0x3  }
0xd: {  	s4 =	sadd.s32 s29, s1;
	s5 =	sadd.s32 $0x6A00, s7;
	s6 =	sadd.s32 s6, s31  }
0xe: {  	v0 =	vimm.f32 $1.000000000e+00;
	v1 =	vimm.f32 $0.0e+00;
	s7 =	smax.u32 s8, $0x1;
	s8 =	simm.s32 $0x1480;
	s13 =	sshrl.u32 s4, $0x3  }
.LBB2_1:
0xf: {  	[tilespmem:$0x1400] =	vst v0  }
0x10: {  	[tilespmem:$0x1410] =	vst v0  }
0x11: {  	[tilespmem:$0x1420] =	vst v0  }
0x12: {  	[tilespmem:$0x1430] =	vst v0  }
0x13: {  	[tilespmem:$0x1440] =	vst v0  }
0x14: {  	[tilespmem:$0x1450] =	vst v0  }
0x15: {  	[tilespmem:$0x1460] =	vst v0  }
0x16: {  	[tilespmem:$0x1470] =	vst v0  }
0x17: {  	[tilespmem:$0x1480] =	vst v1  }
0x18: {  	[tilespmem:$0x1490] =	vst v1  }
0x19: {  	[tilespmem:$0x14A0] =	vst v1  }
0x1a: {  	[tilespmem:$0x14B0] =	vst v1  }
0x1b: {  	[tilespmem:$0x14C0] =	vst v1  }
0x1c: {  	[tilespmem:$0x14D0] =	vst v1  }
0x1d: {  	[tilespmem:$0x14E0] =	vst v1  }
0x1e: {  	[tilespmem:$0x14F0] =	vst v1  }
0x1f: {  	[tilespmem:$0x1500] =	vst v1  }
0x20: {  	[tilespmem:$0x1510] =	vst v1  }
0x21: {  	[tilespmem:$0x1520] =	vst v1  }
0x22: {  	[tilespmem:$0x1530] =	vst v1  }
0x23: {  	[tilespmem:$0x1540] =	vst v1  }
0x24: {  	[tilespmem:$0x1550] =	vst v1  }
0x25: {  	[tilespmem:$0x1560] =	vst v1  }
0x26: {  	[tilespmem:$0x1570] =	vst v1  }
0x27: {  	[tilespmem:$0x1580] =	vst v1  }
0x28: {  	[tilespmem:$0x1590] =	vst v1  }
0x29: {  	[tilespmem:$0x15A0] =	vst v1  }
0x2a: {  	[tilespmem:$0x15B0] =	vst v1  }
0x2b: {  	[tilespmem:$0x15C0] =	vst v1  }
0x2c: {  	[tilespmem:$0x15D0] =	vst v1  }
0x2d: {  	[tilespmem:$0x15E0] =	vst v1  }
0x2e: {  	[tilespmem:$0x15F0] =	vst v1  }
0x2f: {  	[tilespmem:$0x1600] =	vst v1  }
0x30: {  	[tilespmem:$0x1610] =	vst v1  }
0x31: {  	[tilespmem:$0x1620] =	vst v1  }
0x32: {  	[tilespmem:$0x1630] =	vst v1  }
0x33: {  	[tilespmem:$0x1640] =	vst v1  }
0x34: {  	[tilespmem:$0x1650] =	vst v1  }
0x35: {  	[tilespmem:$0x1660] =	vst v1  }
0x36: {  	[tilespmem:$0x1670] =	vst v1  }
0x37: {  	[tilespmem:$0x1680] =	vst v1  }
0x38: {  	[tilespmem:$0x1690] =	vst v1  }
0x39: {  	[tilespmem:$0x16A0] =	vst v1  }
0x3a: {  	[tilespmem:$0x16B0] =	vst v1  }
0x3b: {  	[tilespmem:$0x16C0] =	vst v1  }
0x3c: {  	[tilespmem:$0x16D0] =	vst v1  }
0x3d: {  	[tilespmem:$0x16E0] =	vst v1  }
0x3e: {  	[tilespmem:$0x16F0] =	vst v1  }
0x3f: {  	[spmem:s4] =	stream.linear.scatter [tilespmem:s8], [sflag:$0x1], $0x280, $0x38;
	[tilespmem:$0x1980] =	vst v63  }
0x40: {  	_ =	swait.ge [sflag:s9], $0x280  }
0x41: {  	[sflag:s9] =	ssyncset.done $0x0  }
0x42: {  	[sflag:s9] =	ssyncadd.s32 $0xFFFFFD80  }
0x43: {  	[tilespmem:s3], [sflag:$0x1] =	stream.linear.gather [hbm4b:s5+s3], $0x1400, $0x38;
	[tilespmem:$0x1980] =	vst v63  }
0x44: {  	_ =	swait.ge [sflag:s9], $0x1400  }
0x45: {  	[sflag:s9] =	ssyncset.done $0x0  }
0x46: {  	[sflag:s9] =	ssyncadd.s32 $0xFFFFEC00  }
0x47: {  	s17 =	simm.s32 $0x0;
	[bflag:$0x0] =	sbarrier.arrive $0xFFFF  }
0x48: {  	[spmem:s1] =	stream.indirect.scatter.add.f32 [tilespmem:s11], [sflag:$0x1], $0x1, s17, s10, $0xb8;
	[tilespmem:$0x1980] =	vst v63  }
0x49: {  	_ =	swait.ge [sflag:s9], $0x80  }
0x4a: {  	s17 =	simm.s32 $0x200;
	[sflag:s9] =	ssyncset.done $0x0  }
.LBB2_2:
0x4b: {  	s18 =	sshra.s32 s17, $0x2;
	[sflag:s9] =	ssyncadd.s32 $0xFFFFFF80;
	p0 =	sne.s32 s17, $0x4E00  }
0x4c: {  	[spmem:s1] =	stream.indirect.scatter.add.f32 [tilespmem:s11], [sflag:$0x1], $0x1, s18, s10, $0xb8;
	[tilespmem:$0x1980] =	vst v63  }
.Ltmp0:
0x4d: {  	_ = 	snop;
	(pc) =	sbr.rel @p0 .LBB2_2-.Ltmp0, $4  }
0x4e: {  	_ = 	snop  }
0x4f: {  	s17 =	sadd.s32 $0x200, s17  }
0x50: {  	_ =	swait.ge [sflag:s9], $0x80  }
0x51: {  	[sflag:s9] =	ssyncset.done $0x0  }
0x52: {  	s16 =	sadd.s32 $0x1, s16  }
0x53: {  	[sflag:s9] =	ssyncadd.s32 $0xFFFFFF80;
	p0 =	sne.s32 s16, s7  }
.Ltmp1:
0x54: {  	[bflag:$0x0] =	sbarrier.arrive $0xFFFF;
	(pc) =	sbr.rel @p0 .LBB2_1-.Ltmp1, $4  }
0x55: {  	[hbm:s6@s14], [sflag:s12] =	dma.strided [spmem:s13@s15], $0x50, s9, $0x10   }
0x56: {  	_ =	swait.ge [sflag:s9], $0x50  }
0x57: {  	[sflag:s9] =	ssyncset.done $0x0  }
0x58: {  	[sflag:s9] =	ssyncadd.s32 $0xFFFFFFB0  }
0x59: {  	_ =	sfence.sel $0x180000  }
0x5a: {  	[bflag:$0x0] =	sbarrier.arrive $0xFFFF  }
0x5b: {  	p0 =	sne.s32 s2, $0x0;
	_ =	strace $0x90000047  }
0x5c: {  	s0 =	sadd.s32 @!p0 $0x100000, s0;
	[bflag:$0x2] =	sbarrier.arrive $0xFFFF  }
0x5d: {  	[sflag:s0] =	ssyncadd.tile.s32 @!p0 $0x1;
	_ =	shalt  }
.Lfunc_end2:
_tile_overlayer_lowered:
.L_overlay_start_2:
0x5e: {  	(tag) =	ssettag $0x2  }
0x5f: {  	s0 =	rddreg [dreg:$0x0];
	s2 =	stileid.u32  }
0x60: {  	s1 =	rddreg [dreg:$0x1];
	p0 =	sne.s32 s2, $0x0  }
0x61: {  	s3 =	rddreg [dreg:$0x2];
	[bflag:$0x3] =	sbarrier.arrive $0xFFFF;
	s2 =	simm.s32 @!p0 $0x1C01  }
0x62: {  	[timem:s3], [sflag:s2] =	dma.local @!p0 [hbm:s0], s1  }
0x63: {  	s0 =	simm.s32 @!p0 $0x1  }
0x64: {  	_ =	swait.ge @!p0 [sflag:s0], s1  }
0x65: {  	s1 =	ssub.s32 @!p0 $0x0, s1;
	[sflag:s0] =	ssyncset.done @!p0 $0x0  }
0x66: {  	[sflag:s0] =	ssyncadd.s32 @!p0 s1  }
0x67: {  	[bflag:$0x3] =	sbarrier.arrive $0xFFFF  }
0x68: {  	_ =	shalt  }

// kernel: kernel.9.cloned.1.call-start
scs
__scs_entry_jumppad:
0x0: {  	(pc) =	sbr.rel $0x88, $3  }
0x1: {  	(tag) =	ssettag $0x0;
	lr =	simm.s32 $0x1  }
0x2: {  	[smem:$0x3F9D] =	sst lr;
	_ =	strace $0xD0000000  }
0x3: {  	_ = 	snop  }
0x4: {  	_ = 	snop  }
0x5: {  	_ = 	snop  }
0x6: {  	_ = 	snop  }
0x7: {  	_ = 	snop  }
__scs_overlays_trampoline_lowered:
0x8: {  	[smem:$0x3FAC] =	sst s0  }
0x9: {  	[smem:$0x3FAD] =	sst s1  }
0xa: {  	[smem:$0x3FAE] =	sst s2  }
0xb: {  	[smem:$0x3FAF] =	sst s3  }
0xc: {  	[smem:$0x3FB0] =	sst s4  }
0xd: {  	[smem:$0x3FB1] =	sst s5  }
0xe: {  	[smem:$0x3FB2] =	sst s6  }
0xf: {  	[smem:$0x3FB3] =	sst s7  }
0x10: {  	[smem:$0x3FB4] =	sst s8  }
0x11: {  	[smem:$0x3FB5] =	sst s9;
	s0 =	simm.s32 @!p0 $0x0  }
0x12: {  	s1 =	sld [smem:$0x3F9B];
	s0 =	simm.s32 @p0 $0x1  }
0x13: {  	[smem:$0x3FB6] =	sst s0;
	s0 =	simm.s32 @!p1 $0x0  }
0x14: {  	s2 =	sld [smem:$0x3F9A];
	s0 =	simm.s32 @p1 $0x1  }
0x15: {  	[smem:$0x3FB7] =	sst s0;
	s0 =	simm.s32 @!p2 $0x0  }
0x16: {  	s3 =	sld [smem:$0x3FDB];
	s0 =	simm.s32 @p2 $0x1  }
0x17: {  	s4 =	simm.s32 $0x1BF5;
	[smem:$0x3FB9] =	sst s0  }
0x18: {  	s0 =	sld [smem:$0x3F9C];
	_ =	swait.ge [sflag:s4], $0x0  }
0x19: {  	s7 =	sld [smem:$0x3F9D]  }
0x1a: {  	s8 =	sadd.s32 $0xFFFFE003, lr  }
0x1b: {  	s9 =	sadd.s32 $0xFFFFFEF7, lr;
	s5 =	simm.s32 $0xFFFFFFFF;
	p2 =	slt.u32 s8, $0xFFFFF086  }
0x1c: {  	p1 =	slt.u32 s9, $0xF7A;
	s5 =	simm.s32 @!p2 $0x0  }
0x1d: {  	s5 =	simm.s32 @p1 $0x1;
	p0 =	seq.s32 s7, s2  }
0x1e: {  	s7 =	smul.u32 @!p0 $0xF7A, s2;
	p2 =	seq.s32 @!p0 s5, $0x0  }
0x1f: {  	s9 =	smul.u32 $0xF7A, s1;
	s8 =	simm.s32 @!p0 $0x1BF5;
	p2 =	por !p2, p0  }
0x20: {  	[sflag:s8] =	ssyncset.s32 @!p0 $0xFFFFF086;
	s6 =	sadd.s32 @!p0 s3, s7;
	s7 =	simm.s32 @!p0 $0x108  }
0x21: {  	s3 =	sadd.s32 s3, s9;
	s6 =	sadd.s32 @!p0 $0x88, s6;
	s7 =	simm.s32 @p2 $0x1082  }
0x22: {  	[simem:s7], [sflag:s8] =	dma.local @!p0 [hbm:s6], $0xF7A  }
0x23: {  	s9 =	sor.u32 $0xD0000000, s2;
	s6 =	simm.s32 $0x108;
	_ =	swait.ge @!p0 [sflag:s8], $0x0  }
0x24: {  	s3 =	sadd.s32 $0x88, s3;
	s6 =	simm.s32 @!p1 $0x1082;
	[sflag:s4] =	ssyncset.s32 $0xFFFFF086  }
0x25: {  	[simem:s6], [sflag:s4] =	dma.local [hbm:s3], $0xF7A  }
0x26: {  	[smem:$0x3F9D] =	sst s1;
	(tag) =	ssettag s2;
	_ =	strace s9  }
0x27: {  	s1 =	sld [smem:$0x3FAD]  }
0x28: {  	s2 =	sld [smem:$0x3FAE]  }
0x29: {  	s4 =	sld [smem:$0x3FB0]  }
0x2a: {  	p0 =	seq.s32 s5, $0x0;
	s5 =	sld [smem:$0x3FB1]  }
0x2b: {  	s6 =	sld [smem:$0x3FB2]  }
0x2c: {  	s7 =	sld [smem:$0x3FB3]  }
0x2d: {  	s3 =	simm.s32 $0x108;
	s8 =	sld [smem:$0x3FB4]  }
0x2e: {  	s3 =	simm.s32 @!p0 $0x1082;
	s9 =	sld [smem:$0x3FB5]  }
0x2f: {  	lr =	sadd.s32 s0, s3;
	s0 =	sld [smem:$0x3FAC]  }
0x30: {  	s3 =	sld [smem:$0x3FAF]  }
0x31: {  	[smem:$0x3FB8] =	sst s10  }
0x32: {  	s10 =	sld [smem:$0x3FB6];
	_ =	sdelay $0x3  }
0x33: {  	p0 =	seq.s32 s10, $0x1;
	s10 =	sld [smem:$0x3FB8];
	_ =	sdelay $0x3  }
0x34: {  	[smem:$0x3FB8] =	sst s10  }
0x35: {  	s10 =	sld [smem:$0x3FB7];
	_ =	sdelay $0x3  }
0x36: {  	p1 =	seq.s32 s10, $0x1;
	s10 =	sld [smem:$0x3FB8];
	_ =	sdelay $0x3  }
0x37: {  	[smem:$0x3FB8] =	sst s10  }
0x38: {  	s10 =	sld [smem:$0x3FB9]  }
0x39: {  	_ = 	snop;
	(pc) =	sbr.ind lr, $3  }
0x3a: {  	_ = 	snop  }
0x3b: {  	_ = 	snop  }
0x3c: {  	p2 =	seq.s32 s10, $0x1;
	s10 =	sld [smem:$0x3FB8]  }
0x3d: {  	_ =	shalt  }
0x3e: {  	_ =	shalt  }
0x3f: {  	_ =	shalt  }
0x40: {  	_ =	shalt  }
0x41: {  	_ =	shalt  }
0x42: {  	_ =	shalt  }
0x43: {  	_ =	shalt  }
0x44: {  	_ =	shalt  }
0x45: {  	_ =	shalt  }
0x46: {  	_ =	shalt  }
0x47: {  	_ =	shalt  }
0x48: {  	_ =	shalt  }
0x49: {  	_ =	shalt  }
0x4a: {  	_ =	shalt  }
0x4b: {  	_ =	shalt  }
0x4c: {  	_ =	shalt  }
0x4d: {  	_ =	shalt  }
0x4e: {  	_ =	shalt  }
0x4f: {  	_ =	shalt  }
0x50: {  	_ =	shalt  }
0x51: {  	_ =	shalt  }
0x52: {  	_ =	shalt  }
0x53: {  	_ =	shalt  }
0x54: {  	_ =	shalt  }
0x55: {  	_ =	shalt  }
0x56: {  	_ =	shalt  }
0x57: {  	_ =	shalt  }
0x58: {  	_ =	shalt  }
0x59: {  	_ =	shalt  }
0x5a: {  	_ =	shalt  }
0x5b: {  	_ =	shalt  }
0x5c: {  	_ =	shalt  }
0x5d: {  	_ =	shalt  }
0x5e: {  	_ =	shalt  }
0x5f: {  	_ =	shalt  }
0x60: {  	_ =	shalt  }
0x61: {  	_ =	shalt  }
0x62: {  	_ =	shalt  }
0x63: {  	_ =	shalt  }
0x64: {  	_ =	shalt  }
0x65: {  	_ =	shalt  }
0x66: {  	_ =	shalt  }
0x67: {  	_ =	shalt  }
0x68: {  	_ =	shalt  }
0x69: {  	_ =	shalt  }
0x6a: {  	_ =	shalt  }
0x6b: {  	_ =	shalt  }
0x6c: {  	_ =	shalt  }
0x6d: {  	_ =	shalt  }
0x6e: {  	_ =	shalt  }
0x6f: {  	_ =	shalt  }
0x70: {  	_ =	shalt  }
0x71: {  	_ =	shalt  }
0x72: {  	_ =	shalt  }
0x73: {  	_ =	shalt  }
0x74: {  	_ =	shalt  }
0x75: {  	_ =	shalt  }
0x76: {  	_ =	shalt  }
0x77: {  	_ =	shalt  }
0x78: {  	_ =	shalt  }
0x79: {  	_ =	shalt  }
0x7a: {  	_ =	shalt  }
0x7b: {  	_ =	shalt  }
0x7c: {  	_ =	shalt  }
0x7d: {  	_ =	shalt  }
0x7e: {  	_ =	shalt  }
0x7f: {  	_ =	shalt  }
0x80: {  	_ =	shalt  }
0x81: {  	_ =	shalt  }
0x82: {  	_ =	shalt  }
0x83: {  	_ =	shalt  }
0x84: {  	_ =	shalt  }
0x85: {  	_ =	shalt  }
0x86: {  	_ =	shalt  }
0x87: {  	_ =	shalt  }
.Lfunc_end0:
.L_simem_size_0:
called_computation.1_lowered:
.L_overlay_start_0:
0x88: {  	s2 =	sld [smem:$0x3FD9]  }
0x89: {  	s3 =	sld [smem:$0x3FFE];
	_ =	sdelay $0x1  }
0x8a: {  	s1 =	srdreg.scid  }
0x8b: {  	s0 =	sand.u32 $0x1, s1  }
0x8c: {  	s17 =	sshll.u32 s0, $0xA;
	s2 =	sadd.s32 s3, s2  }
0x8d: {  	s2 =	sadd.s32 s2, s17  }
0x8e: {  	[smem:$0x3FC4] =	sst s2  }
0x8f: {  	_ = 	snop  }
0x90: {  	s2 =	sld [smem:$0x3FD0];
	(tm) =	ssettm $0x1  }
0x91: {  	s18 =	sld [smem:$0x3FFB];
	_ =	sdelay $0x3  }
0x92: {  	_ =	strace s18  }
0x93: {  	s3 =	sld [smem:$0x3FFC];
	_ =	sdelay $0x3  }
0x94: {  	_ =	strace s3  }
0x95: {  	s3 =	sld [smem:$0x3FFD];
	_ =	sdelay $0x3  }
0x96: {  	_ =	strace s3  }
0x97: {  	_ =	strace $0x8FFFFFFF  }
0x98: {  	s19 =	sld [smem:$0x3FDB];
	_ =	sdelay $0x1  }
0x99: {  	s4 =	simm.s32 $_scs_section_size  }
0x9a: {  	s5 =	simm.s32 $_size__tile_overlayer_lowered;
	s6 =	simm.s32 $_tile_overlayer_lowered  }
0x9b: {  	s22 =	simm.s32 $0x1BFF;
	s21 =	sshll.u32 s6, $0x1;
	s3 =	sadd.s32 s4, s19  }
0x9c: {  	s7 =	simm.s32 $0x0;
	s20 =	sshll.u32 s5, $0x1;
	s5 =	sadd.s32 s21, s3  }
0x9d: {  	[timem:s7], [sflag:s22] =	dma.local [hbm:s5], s20  }
0x9e: {  	_ =	swait.ge [sflag:s22], s20  }
0x9f: {  	s4 =	ssub.s32 $0x0, s20;
	[sflag:s22] =	ssyncset.done $0x0  }
0xa0: {  	[sflag:s22] =	ssyncadd.s32 s4;
	_ =	sdelay $0x1  }
0xa1: {  	s23 =	simm.s32 $0x1B8B  }
0xa2: {  	_ =	swait.ge [sflag:s23], $0x1  }
0xa3: {  	[sflag:s23] =	ssyncset.done $0x0  }
0xa4: {  	s25 =	simm.s32 $0x1B8E;
	s24 =	sld [smem:$0x3FFE];
	[sflag:s23] =	ssyncadd.s32 $0xFFFFFFFF  }
0xa5: {  	s26 =	simm.s32 $execute0_lowered;
	[smem:$0x3FD2] =	sst s25  }
0xa6: {  	s5 =	sshll.u32 s26, $0x1;
	_ =	strace $0x80000049;
	[dreg:$0x1] =	wrdreg $0xFFFFFFFF  }
0xa7: {  	s28 =	simm.s32 $_size_execute0_lowered;
	s3 =	sadd.s32 s3, s5;
	[dreg:$0x0] =	wrdreg $0x0  }
0xa8: {  	s5 =	sshll.u32 s28, $0x1;
	[dreg:$0x2] =	wrdreg s3  }
0xa9: {  	[dreg:$0x3] =	wrdreg s5  }
0xaa: {  	[dreg:$0x4] =	wrdreg $0xC0  }
0xab: {  	_ =	task [dreg:s7], $0x5FFFF  }
0xac: {  	[dreg:$0x1] =	wrdreg $0xFFFFFFFF  }
0xad: {  	[dreg:$0x0] =	wrdreg $0x60  }
0xae: {  	[dreg:$0x2] =	wrdreg s2  }
0xaf: {  	[dreg:$0x3] =	wrdreg s24  }
0xb0: {  	[dreg:$0x4] =	wrdreg $0xA8000  }
0xb1: {  	[dreg:$0x5] =	wrdreg $0x9  }
0xb2: {  	_ =	task.clear_ibuf [dreg:s7], $0x6FFFF;
	_ =	strace $0x90000049  }
0xb3: {  	s29 =	simm.s32 $0x9;
	_ =	strace $0x8000004B  }
0xb4: {  	_ =	swait.ge [sflag:s29], $0x1  }
0xb5: {  	[sflag:s29] =	ssyncadd.s32 $0xFFFFFFFF  }
0xb6: {  	_ =	strace $0x9000004B  }
0xb7: {  	_ =	sfence  }
0xb8: {  	s30 =	sld [smem:$0x0];
	_ =	sdelay $0x2  }
0xb9: {  	s31 =	sshll.u32 s1, $0xD;
	s1 =	sshrl.u32 s1, $0x2  }
0xba: {  	s3 =	sand.u32 $0x4000, s31;
	s1 =	sadd.s32 s1, s30  }
0xbb: {  	s0 =	sor.u32 s3, s0;
	s1 =	sshll.u32 s1, $0x11  }
0xbc: {  	s0 =	sor.u32 s1, s0  }
0xbd: {  	s0 =	sadd.s32 $0x8F2B, s0  }
0xbe: {  	[sflag:s0] =	ssyncadd.remote.s32 $0x1  }
0xbf: {  	_ =	sfence.sel $0xFFFF  }
0xc0: {  	[dreg:$0x0] =	wrdreg $0xFFFFFFFF;
	(pc) =	sbr.abs _section_cstart, $3  }
0xc1: {  	[dreg:$0x1] =	wrdreg $0xFFFFFFFF  }
0xc2: {  	_ =	task.clear_ibuf [dreg:s7], $0x2FFFF;
	_ =	strace $0x9FFFFFFF  }
0xc3: {  	(tm) =	ssettm $0x7FFFFFFF  }
tec
execute0_lowered:
.L_overlay_start_1:
0x0: {  	(tag) =	ssettag $0x1  }
0x1: {  	s1 =	rddreg [dreg:$0x0]  }
0x2: {  	s0 =	rddreg [dreg:$0x1]  }
0x3: {  	s2 =	rddreg [dreg:$0x2]  }
0x4: {  	s4 =	simm.s32 $0x0;
	s5 =	srdreg.scid;
	s3 =	stileid.u32  }
0x5: {  	s19 =	simm.s32 $0x2800;
	s20 =	simm.s32 $0x3;
	s21 =	simm.s32 $0x1400  }
0x6: {  	s22 =	simm.s32 $0x80;
	s23 =	simm.s32 $0x6800;
	s24 =	simm.s32 $0x1  }
0x7: {  	s25 =	simm.s32 $0x2;
	s26 =	simm.s32 $0x2700;
	s28 =	simm.s32 $0x2780  }
0x8: {  	s29 =	simm.s32 $0x0;
	[smem:$0x7FF] =	sst s4;
	s6 =	smul.u32 $0x50000, s3  }
0x9: {  	s13 =	sand.u32 $0x1, s5;
	s5 =	sadd.s32 $0xBA00, s0;
	s10 =	smul.u32 $0x2800, s3  }
0xa: {  	s15 =	sadd.s32 $0x1A00, s0;
	s16 =	sadd.s32 $0x6A00, s0;
	s14 =	smul.u32 $0x500, s3  }
0xb: {  	s18 =	smul.u32 $0x14000, s3;
	_ =	strace $0x8000004A;
	s7 =	ssub.s32 $0x2, s13  }
0xc: {  	p0 =	seq.s32 s13, $0x1;
	s8 =	sshrl.u32 s7, $0x1;
	s9 =	sshrl.u32 s6, $0x2  }
0xd: {  	s6 =	sadd.s32 $0x33A00, s0;
	s17 =	sshrl.u32 s10, $0x3;
	s13 =	sadd.s32 s15, s14  }
.Ltmp0:
0xe: {  	s14 =	sadd.s32 s16, s14;
	s31 =	sshrl.u32 s18, $0x3;
	(pc) =	sbr.rel .LBB2_1-.Ltmp0, $4  }
0xf: {  	s30 =	ssub.s32 s7, s8;
	s7 =	sadd.s32 s9, s2;
	s17 =	sadd.s32 $0x280, s17  }
0x10: {  	s8 =	sadd.s32 $0x4000, s7;
	s9 =	sadd.s32 $0x8000, s7;
	s11 =	sadd.s32 $0xC000, s7  }
0x11: {  	s15 =	sadd.s32 s15, s17;
	s16 =	sadd.s32 s16, s17;
	s17 =	sadd.s32 $0x28000, s31  }
0x12: {  	v0 =	vimm.f32 $0.0e+00;
	s12 =	sadd.s32 $0x10000, s7;
	s18 =	smax.u32 s30, $0x1;
	[dreg:$0x4] =	wrdreg s17  }
.LBB2_8:
0x13: {  	[tilespmem:s23], [sflag:$0x2] =	stream.indirect.gather [hbm4b:s1+s22], $0x80, s0, s22, $0xb8;
	[tilespmem:$0x1E800] =	vst v63  }
0x14: {  	s30 =	smov.u32 s10  }
.LBB2_14:
0x15: {  	_ =	swait.ge [sflag:s24], $0x4000  }
0x16: {  	[sflag:s24] =	ssyncset.done $0x0  }
0x17: {  	[sflag:s24] =	ssyncadd.s32 $0xFFFFC000  }
0x18: {  	[spmem:s2] =	stream.indirect.scatter.add.f32 [tilespmem:s19], [sflag:$0x3], $0x80, s26, s22, $0xb8;
	[tilespmem:$0x1E800] =	vst v63  }
0x19: {  	_ =	swait.ge [sflag:s20], $0x4000  }
0x1a: {  	[sflag:s20] =	ssyncset.done $0x0  }
0x1b: {  	[sflag:s20] =	ssyncadd.s32 $0xFFFFC000  }
0x1c: {  	_ =	swait.ge [sflag:s25], $0x4000  }
0x1d: {  	[sflag:s25] =	ssyncset.done $0x0  }
0x1e: {  	[sflag:s25] =	ssyncadd.s32 $0xFFFFC000  }
0x1f: {  	[spmem:s2] =	stream.indirect.scatter.add.f32 [tilespmem:s23], [sflag:$0x3], $0x80, s28, s22, $0xb8;
	[tilespmem:$0x1E800] =	vst v63  }
0x20: {  	s0 =	sadd.s32 s6, s30;
	_ =	swait.ge [sflag:s20], $0x4000  }
0x21: {  	s17 =	sshll.u32 s3, $0x6;
	s29 =	sadd.s32 $0x1, s29;
	[sflag:s20] =	ssyncset.done $0x0  }
0x22: {  	s31 =	sshrl.u32 s7, $0x3;
	p1 =	sne.s32 s29, s18;
	[sflag:s20] =	ssyncadd.s32 $0xFFFFC000  }
.Ltmp1:
0x23: {  	s17 =	sor.u32 $0x1C03, s17;
	[bflag:$0x0] =	sbarrier.arrive $0xFFFF;
	(pc) =	sbr.rel @!p1 .LBB2_15-.Ltmp1, $4  }
0x24: {  	[hbm:s0], [sflag:s17] =	dma.local [spmem:s31], $0x2800  }
0x25: {  	_ =	swait.ge [sflag:s20], $0x2800  }
0x26: {  	[sflag:s20] =	ssyncset.done $0x0  }
0x27: {  	[sflag:s20] =	ssyncadd.s32 $0xFFFFD800  }
.LBB2_1:
0x28: {  	s0 =	sand.u32 $0xFE00, s4  }
0x29: {  	s31 =	sand.u32 $0x70, s4;
	s0 =	sshrl.u32 s0, $0x2  }
0x2a: {  	s30 =	simm.s32 $0x40;
	s0 =	sor.u32 s31, s0;
	s31 =	simm.s32 $0x0  }
.LBB2_2:
0x2b: {  	p1 =	sne.s32 s30, $0xFFC0  }
0x2c: {  	[tilespmem:s0+$0x2800] =	vst v0;
	s31 =	sadd.s32 $0x10, s31;
	s0 =	smov.u32 s30;
	s30 =	sadd.s32 $0x40, s30  }
.Ltmp2:
0x2d: {  	(pc) =	sbr.rel @p1 .LBB2_2-.Ltmp2, $4  }
0x2e: {  	_ = 	snop  }
0x2f: {  	s0 =	sand.u32 $0xFE00, s0  }
0x30: {  	s17 =	sand.u32 $0x70, s31;
	s0 =	sshrl.u32 s0, $0x2  }
0x31: {  	s0 =	sor.u32 s17, s0  }
0x32: {  	[tilespmem:s0+$0x2800] =	vst v0  }
0x33: {  	[spmem:s7] =	stream.linear.scatter [tilespmem:s19], [sflag:$0x3], $0x4000, $0x38;
	[tilespmem:$0x1E800] =	vst v63  }
0x34: {  	_ =	swait.ge [sflag:s20], $0x4000  }
0x35: {  	[sflag:s20] =	ssyncset.done $0x0  }
0x36: {  	[sflag:s20] =	ssyncadd.s32 $0xFFFFC000  }
0x37: {  	[spmem:s8] =	stream.linear.scatter [tilespmem:s19], [sflag:$0x3], $0x4000, $0x38;
	[tilespmem:$0x1E800] =	vst v63  }
0x38: {  	_ =	swait.ge [sflag:s20], $0x4000  }
0x39: {  	[sflag:s20] =	ssyncset.done $0x0  }
0x3a: {  	[sflag:s20] =	ssyncadd.s32 $0xFFFFC000  }
0x3b: {  	[spmem:s9] =	stream.linear.scatter [tilespmem:s19], [sflag:$0x3], $0x4000, $0x38;
	[tilespmem:$0x1E800] =	vst v63  }
0x3c: {  	_ =	swait.ge [sflag:s20], $0x4000  }
0x3d: {  	[sflag:s20] =	ssyncset.done $0x0  }
0x3e: {  	[sflag:s20] =	ssyncadd.s32 $0xFFFFC000  }
0x3f: {  	[spmem:s11] =	stream.linear.scatter [tilespmem:s19], [sflag:$0x3], $0x4000, $0x38;
	[tilespmem:$0x1E800] =	vst v63  }
0x40: {  	_ =	swait.ge [sflag:s20], $0x4000  }
0x41: {  	[sflag:s20] =	ssyncset.done $0x0  }
0x42: {  	[sflag:s20] =	ssyncadd.s32 $0xFFFFC000  }
0x43: {  	[spmem:s12] =	stream.linear.scatter [tilespmem:s19], [sflag:$0x3], $0x4000, $0x38;
	[tilespmem:$0x1E800] =	vst v63  }
0x44: {  	_ =	swait.ge [sflag:s20], $0x4000  }
0x45: {  	[sflag:s20] =	ssyncset.done $0x0  }
0x46: {  	[sflag:s20] =	ssyncadd.s32 $0xFFFFC000  }
0x47: {  	[bflag:$0x0] =	sbarrier.arrive $0xFFFF  }
0x48: {  	[tilespmem:s4], [sflag:$0x3] =	stream.linear.gather [hbm4b:s13+s4], $0x1400, $0x38;
	[tilespmem:$0x1E800] =	vst v63  }
0x49: {  	_ =	swait.ge [sflag:s20], $0x1400  }
0x4a: {  	[sflag:s20] =	ssyncset.done $0x0  }
.Ltmp3:
0x4b: {  	[sflag:s20] =	ssyncadd.s32 $0xFFFFEC00;
	(pc) =	sbr.rel @!p0 .LBB2_4-.Ltmp3, $4  }
0x4c: {  	[tilespmem:s21], [sflag:$0x3] =	stream.linear.gather [hbm4b:s14+s4], $0x1400, $0x38;
	[tilespmem:$0x1E800] =	vst v63  }
0x4d: {  	_ =	swait.ge [sflag:s20], $0x1400  }
0x4e: {  	[sflag:s20] =	ssyncset.done $0x0  }
0x4f: {  	s0 =	simm.s32 $0x0;
	[sflag:s20] =	ssyncadd.s32 $0xFFFFEC00  }
0x50: {  	[tilespmem:s19], [sflag:$0x1] =	stream.indirect.gather [hbm4b:s5+s22], $0x80, s0, s22, $0xb8;
	[tilespmem:$0x1E800] =	vst v63  }
0x51: {  	_ = 	snop  }
0x52: {  	[tilespmem:s23], [sflag:$0x2] =	stream.indirect.gather [hbm4b:s5+s22], $0x80, s22, s22, $0xb8;
	[tilespmem:$0x1E800] =	vst v63  }
0x53: {  	_ =	swait.ge [sflag:s24], $0x4000  }
0x54: {  	[sflag:s24] =	ssyncset.done $0x0  }
0x55: {  	s31 =	simm.s32 $0x1400;
	[sflag:s24] =	ssyncadd.s32 $0xFFFFC000  }
0x56: {  	[spmem:s2] =	stream.indirect.scatter.add.f32 [tilespmem:s19], [sflag:$0x3], $0x80, s31, s22, $0xb8;
	[tilespmem:$0x1E800] =	vst v63  }
0x57: {  	_ =	swait.ge [sflag:s20], $0x4000  }
0x58: {  	[sflag:s20] =	ssyncset.done $0x0  }
0x59: {  	s17 =	simm.s32 $0x100;
	[sflag:s20] =	ssyncadd.s32 $0xFFFFC000  }
0x5a: {  	[tilespmem:s19], [sflag:$0x1] =	stream.indirect.gather [hbm4b:s5+s22], $0x80, s17, s22, $0xb8;
	[tilespmem:$0x1E800] =	vst v63  }
0x5b: {  	_ =	swait.ge [sflag:s25], $0x4000  }
0x5c: {  	[sflag:s25] =	ssyncset.done $0x0  }
0x5d: {  	s31 =	simm.s32 $0x1480;
	[sflag:s25] =	ssyncadd.s32 $0xFFFFC000  }
0x5e: {  	[spmem:s2] =	stream.indirect.scatter.add.f32 [tilespmem:s23], [sflag:$0x3], $0x80, s31, s22, $0xb8;
	[tilespmem:$0x1E800] =	vst v63  }
0x5f: {  	_ =	swait.ge [sflag:s20], $0x4000  }
0x60: {  	[sflag:s20] =	ssyncset.done $0x0  }
0x61: {  	s30 =	simm.s32 $0x400;
	s0 =	simm.s32 $0x180;
	[sflag:s20] =	ssyncadd.s32 $0xFFFFC000  }
.LBB2_10:
0x62: {  	[tilespmem:s23], [sflag:$0x2] =	stream.indirect.gather [hbm4b:s5+s22], $0x80, s0, s22, $0xb8;
	[tilespmem:$0x1E800] =	vst v63  }
0x63: {  	s0 =	smov.u32 s30  }
0x64: {  	p1 =	sne.s32 s30, $0x4800;
	s30 =	sadd.s32 $0x400, s30;
	_ =	swait.ge [sflag:s24], $0x4000  }
0x65: {  	s0 =	sshra.s32 s0, $0x2;
	[sflag:s24] =	ssyncset.done $0x0  }
0x66: {  	s17 =	sadd.s32 $0x1400, s0;
	[sflag:s24] =	ssyncadd.s32 $0xFFFFC000  }
0x67: {  	[spmem:s2] =	stream.indirect.scatter.add.f32 [tilespmem:s19], [sflag:$0x3], $0x80, s17, s22, $0xb8;
	[tilespmem:$0x1E800] =	vst v63  }
0x68: {  	_ =	swait.ge [sflag:s20], $0x4000  }
0x69: {  	[sflag:s20] =	ssyncset.done $0x0  }
0x6a: {  	s17 =	sadd.s32 $0x100, s0;
	[sflag:s20] =	ssyncadd.s32 $0xFFFFC000  }
0x6b: {  	[tilespmem:s19], [sflag:$0x1] =	stream.indirect.gather [hbm4b:s5+s22], $0x80, s17, s22, $0xb8;
	[tilespmem:$0x1E800] =	vst v63  }
0x6c: {  	_ =	swait.ge [sflag:s25], $0x4000  }
0x6d: {  	[sflag:s25] =	ssyncset.done $0x0  }
.Ltmp4:
0x6e: {  	s17 =	sadd.s32 $0x1480, s0;
	[sflag:s25] =	ssyncadd.s32 $0xFFFFC000;
	(pc) =	sbr.rel @p1 .LBB2_10-.Ltmp4, $4  }
0x6f: {  	[spmem:s2] =	stream.indirect.scatter.add.f32 [tilespmem:s23], [sflag:$0x3], $0x80, s17, s22, $0xb8;
	[tilespmem:$0x1E800] =	vst v63  }
0x70: {  	_ =	swait.ge [sflag:s20], $0x4000  }
0x71: {  	[sflag:s20] =	ssyncset.done $0x0  }
0x72: {  	s0 =	sadd.s32 $0x180, s0;
	[sflag:s20] =	ssyncadd.s32 $0xFFFFC000  }
0x73: {  	[tilespmem:s23], [sflag:$0x2] =	stream.indirect.gather [hbm4b:s5+s22], $0x80, s0, s22, $0xb8;
	[tilespmem:$0x1E800] =	vst v63  }
0x74: {  	_ =	swait.ge [sflag:s24], $0x4000  }
0x75: {  	[sflag:s24] =	ssyncset.done $0x0  }
0x76: {  	[sflag:s24] =	ssyncadd.s32 $0xFFFFC000  }
0x77: {  	[spmem:s2] =	stream.indirect.scatter.add.f32 [tilespmem:s19], [sflag:$0x3], $0x80, s26, s22, $0xb8;
	[tilespmem:$0x1E800] =	vst v63  }
0x78: {  	_ =	swait.ge [sflag:s20], $0x4000  }
0x79: {  	[sflag:s20] =	ssyncset.done $0x0  }
0x7a: {  	[sflag:s20] =	ssyncadd.s32 $0xFFFFC000  }
0x7b: {  	_ =	swait.ge [sflag:s25], $0x4000  }
0x7c: {  	[sflag:s25] =	ssyncset.done $0x0  }
0x7d: {  	[sflag:s25] =	ssyncadd.s32 $0xFFFFC000  }
0x7e: {  	[spmem:s2] =	stream.indirect.scatter.add.f32 [tilespmem:s23], [sflag:$0x3], $0x80, s28, s22, $0xb8;
	[tilespmem:$0x1E800] =	vst v63  }
0x7f: {  	_ =	swait.ge [sflag:s20], $0x4000  }
0x80: {  	[sflag:s20] =	ssyncset.done $0x0  }
0x81: {  	s17 =	simm.s32 $0x0;
	[sflag:s20] =	ssyncadd.s32 $0xFFFFC000  }
0x82: {  	[tilespmem:s17], [sflag:$0x3] =	stream.linear.gather [hbm4b:s15+s17], $0x1400, $0x38;
	[tilespmem:$0x1E800] =	vst v63  }
0x83: {  	_ =	swait.ge [sflag:s20], $0x1400  }
0x84: {  	[sflag:s20] =	ssyncset.done $0x0  }
0x85: {  	[sflag:s20] =	ssyncadd.s32 $0xFFFFEC00  }
0x86: {  	[tilespmem:s21], [sflag:$0x3] =	stream.linear.gather [hbm4b:s16+s17], $0x1400, $0x38;
	[tilespmem:$0x1E800] =	vst v63  }
0x87: {  	_ =	swait.ge [sflag:s20], $0x1400  }
0x88: {  	[sflag:s20] =	ssyncset.done $0x0  }
0x89: {  	[sflag:s20] =	ssyncadd.s32 $0xFFFFEC00  }
0x8a: {  	[tilespmem:s19], [sflag:$0x1] =	stream.indirect.gather [hbm4b:s5+s22], $0x80, s17, s22, $0xb8;
	[tilespmem:$0x1E800] =	vst v63  }
0x8b: {  	_ = 	snop  }
0x8c: {  	[tilespmem:s23], [sflag:$0x2] =	stream.indirect.gather [hbm4b:s5+s22], $0x80, s22, s22, $0xb8;
	[tilespmem:$0x1E800] =	vst v63  }
0x8d: {  	_ =	swait.ge [sflag:s24], $0x4000  }
0x8e: {  	[sflag:s24] =	ssyncset.done $0x0  }
0x8f: {  	s31 =	simm.s32 $0x1400;
	[sflag:s24] =	ssyncadd.s32 $0xFFFFC000  }
0x90: {  	[spmem:s2] =	stream.indirect.scatter.add.f32 [tilespmem:s19], [sflag:$0x3], $0x80, s31, s22, $0xb8;
	[tilespmem:$0x1E800] =	vst v63  }
0x91: {  	_ =	swait.ge [sflag:s20], $0x4000  }
0x92: {  	[sflag:s20] =	ssyncset.done $0x0  }
0x93: {  	s17 =	simm.s32 $0x100;
	[sflag:s20] =	ssyncadd.s32 $0xFFFFC000  }
0x94: {  	[tilespmem:s19], [sflag:$0x1] =	stream.indirect.gather [hbm4b:s5+s22], $0x80, s17, s22, $0xb8;
	[tilespmem:$0x1E800] =	vst v63  }
0x95: {  	_ =	swait.ge [sflag:s25], $0x4000  }
0x96: {  	[sflag:s25] =	ssyncset.done $0x0  }
0x97: {  	s31 =	simm.s32 $0x1480;
	[sflag:s25] =	ssyncadd.s32 $0xFFFFC000  }
0x98: {  	[spmem:s2] =	stream.indirect.scatter.add.f32 [tilespmem:s23], [sflag:$0x3], $0x80, s31, s22, $0xb8;
	[tilespmem:$0x1E800] =	vst v63  }
0x99: {  	_ =	swait.ge [sflag:s20], $0x4000  }
0x9a: {  	[sflag:s20] =	ssyncset.done $0x0  }
0x9b: {  	s30 =	simm.s32 $0x400;
	s0 =	simm.s32 $0x180;
	[sflag:s20] =	ssyncadd.s32 $0xFFFFC000  }
.LBB2_12:
0x9c: {  	[tilespmem:s23], [sflag:$0x2] =	stream.indirect.gather [hbm4b:s5+s22], $0x80, s0, s22, $0xb8;
	[tilespmem:$0x1E800] =	vst v63  }
0x9d: {  	s0 =	smov.u32 s30  }
0x9e: {  	p1 =	sne.s32 s30, $0x4800;
	s30 =	sadd.s32 $0x400, s30;
	_ =	swait.ge [sflag:s24], $0x4000  }
0x9f: {  	s0 =	sshra.s32 s0, $0x2;
	[sflag:s24] =	ssyncset.done $0x0  }
0xa0: {  	s17 =	sadd.s32 $0x1400, s0;
	[sflag:s24] =	ssyncadd.s32 $0xFFFFC000  }
0xa1: {  	[spmem:s2] =	stream.indirect.scatter.add.f32 [tilespmem:s19], [sflag:$0x3], $0x80, s17, s22, $0xb8;
	[tilespmem:$0x1E800] =	vst v63  }
0xa2: {  	_ =	swait.ge [sflag:s20], $0x4000  }
0xa3: {  	[sflag:s20] =	ssyncset.done $0x0  }
0xa4: {  	s17 =	sadd.s32 $0x100, s0;
	[sflag:s20] =	ssyncadd.s32 $0xFFFFC000  }
0xa5: {  	[tilespmem:s19], [sflag:$0x1] =	stream.indirect.gather [hbm4b:s5+s22], $0x80, s17, s22, $0xb8;
	[tilespmem:$0x1E800] =	vst v63  }
0xa6: {  	_ =	swait.ge [sflag:s25], $0x4000  }
0xa7: {  	[sflag:s25] =	ssyncset.done $0x0  }
.Ltmp5:
0xa8: {  	s17 =	sadd.s32 $0x1480, s0;
	[sflag:s25] =	ssyncadd.s32 $0xFFFFC000;
	(pc) =	sbr.rel @p1 .LBB2_12-.Ltmp5, $4  }
0xa9: {  	[spmem:s2] =	stream.indirect.scatter.add.f32 [tilespmem:s23], [sflag:$0x3], $0x80, s17, s22, $0xb8;
	[tilespmem:$0x1E800] =	vst v63  }
0xaa: {  	_ =	swait.ge [sflag:s20], $0x4000  }
0xab: {  	[sflag:s20] =	ssyncset.done $0x0  }
0xac: {  	s0 =	sadd.s32 $0x180, s0;
	[sflag:s20] =	ssyncadd.s32 $0xFFFFC000  }
.Ltmp6:
0xad: {  	(pc) =	sbr.rel .LBB2_14-.Ltmp6, $3  }
0xae: {  	_ =	sdelay $0x1  }
0xaf: {  	[tilespmem:s23], [sflag:$0x2] =	stream.indirect.gather [hbm4b:s5+s22], $0x80, s0, s22, $0xb8;
	[tilespmem:$0x1E800] =	vst v63  }
0xb0: {  	s30 =	rddreg [dreg:$0x4]  }
.LBB2_4:
0xb1: {  	[tilespmem:s19], [sflag:$0x1] =	stream.indirect.gather [hbm4b:s1+s22], $0x80, s0, s22, $0xb8;
	[tilespmem:$0x1E800] =	vst v63  }
0xb2: {  	_ = 	snop  }
0xb3: {  	[tilespmem:s23], [sflag:$0x2] =	stream.indirect.gather [hbm4b:s1+s22], $0x80, s22, s22, $0xb8;
	[tilespmem:$0x1E800] =	vst v63  }
0xb4: {  	_ =	swait.ge [sflag:s24], $0x4000  }
0xb5: {  	[sflag:s24] =	ssyncset.done $0x0  }
0xb6: {  	s31 =	simm.s32 $0x1400;
	[sflag:s24] =	ssyncadd.s32 $0xFFFFC000  }
0xb7: {  	[spmem:s2] =	stream.indirect.scatter.add.f32 [tilespmem:s19], [sflag:$0x3], $0x80, s31, s22, $0xb8;
	[tilespmem:$0x1E800] =	vst v63  }
0xb8: {  	_ =	swait.ge [sflag:s20], $0x4000  }
0xb9: {  	[sflag:s20] =	ssyncset.done $0x0  }
0xba: {  	s17 =	simm.s32 $0x100;
	[sflag:s20] =	ssyncadd.s32 $0xFFFFC000  }
0xbb: {  	[tilespmem:s19], [sflag:$0x1] =	stream.indirect.gather [hbm4b:s1+s22], $0x80, s17, s22, $0xb8;
	[tilespmem:$0x1E800] =	vst v63  }
0xbc: {  	_ =	swait.ge [sflag:s25], $0x4000  }
0xbd: {  	[sflag:s25] =	ssyncset.done $0x0  }
0xbe: {  	s31 =	simm.s32 $0x1480;
	[sflag:s25] =	ssyncadd.s32 $0xFFFFC000  }
0xbf: {  	[spmem:s2] =	stream.indirect.scatter.add.f32 [tilespmem:s23], [sflag:$0x3], $0x80, s31, s22, $0xb8;
	[tilespmem:$0x1E800] =	vst v63  }
0xc0: {  	_ =	swait.ge [sflag:s20], $0x4000  }
0xc1: {  	[sflag:s20] =	ssyncset.done $0x0  }
0xc2: {  	s30 =	simm.s32 $0x400;
	s0 =	simm.s32 $0x180;
	[sflag:s20] =	ssyncadd.s32 $0xFFFFC000  }
.LBB2_5:
0xc3: {  	[tilespmem:s23], [sflag:$0x2] =	stream.indirect.gather [hbm4b:s1+s22], $0x80, s0, s22, $0xb8;
	[tilespmem:$0x1E800] =	vst v63  }
0xc4: {  	s0 =	smov.u32 s30  }
0xc5: {  	p1 =	sne.s32 s30, $0x4800;
	s30 =	sadd.s32 $0x400, s30;
	_ =	swait.ge [sflag:s24], $0x4000  }
0xc6: {  	s0 =	sshra.s32 s0, $0x2;
	[sflag:s24] =	ssyncset.done $0x0  }
0xc7: {  	s17 =	sadd.s32 $0x1400, s0;
	[sflag:s24] =	ssyncadd.s32 $0xFFFFC000  }
0xc8: {  	[spmem:s2] =	stream.indirect.scatter.add.f32 [tilespmem:s19], [sflag:$0x3], $0x80, s17, s22, $0xb8;
	[tilespmem:$0x1E800] =	vst v63  }
0xc9: {  	_ =	swait.ge [sflag:s20], $0x4000  }
0xca: {  	[sflag:s20] =	ssyncset.done $0x0  }
0xcb: {  	s17 =	sadd.s32 $0x100, s0;
	[sflag:s20] =	ssyncadd.s32 $0xFFFFC000  }
0xcc: {  	[tilespmem:s19], [sflag:$0x1] =	stream.indirect.gather [hbm4b:s1+s22], $0x80, s17, s22, $0xb8;
	[tilespmem:$0x1E800] =	vst v63  }
0xcd: {  	_ =	swait.ge [sflag:s25], $0x4000  }
0xce: {  	[sflag:s25] =	ssyncset.done $0x0  }
.Ltmp7:
0xcf: {  	s17 =	sadd.s32 $0x1480, s0;
	[sflag:s25] =	ssyncadd.s32 $0xFFFFC000;
	(pc) =	sbr.rel @p1 .LBB2_5-.Ltmp7, $4  }
0xd0: {  	[spmem:s2] =	stream.indirect.scatter.add.f32 [tilespmem:s23], [sflag:$0x3], $0x80, s17, s22, $0xb8;
	[tilespmem:$0x1E800] =	vst v63  }
0xd1: {  	_ =	swait.ge [sflag:s20], $0x4000  }
0xd2: {  	[sflag:s20] =	ssyncset.done $0x0  }
0xd3: {  	s0 =	sadd.s32 $0x180, s0;
	[sflag:s20] =	ssyncadd.s32 $0xFFFFC000  }
0xd4: {  	[tilespmem:s23], [sflag:$0x2] =	stream.indirect.gather [hbm4b:s1+s22], $0x80, s0, s22, $0xb8;
	[tilespmem:$0x1E800] =	vst v63  }
0xd5: {  	_ =	swait.ge [sflag:s24], $0x4000  }
0xd6: {  	[sflag:s24] =	ssyncset.done $0x0  }
0xd7: {  	[sflag:s24] =	ssyncadd.s32 $0xFFFFC000  }
0xd8: {  	[spmem:s2] =	stream.indirect.scatter.add.f32 [tilespmem:s19], [sflag:$0x3], $0x80, s26, s22, $0xb8;
	[tilespmem:$0x1E800] =	vst v63  }
0xd9: {  	_ =	swait.ge [sflag:s20], $0x4000  }
0xda: {  	[sflag:s20] =	ssyncset.done $0x0  }
0xdb: {  	[sflag:s20] =	ssyncadd.s32 $0xFFFFC000  }
0xdc: {  	_ =	swait.ge [sflag:s25], $0x4000  }
0xdd: {  	[sflag:s25] =	ssyncset.done $0x0  }
0xde: {  	[sflag:s25] =	ssyncadd.s32 $0xFFFFC000  }
0xdf: {  	[spmem:s2] =	stream.indirect.scatter.add.f32 [tilespmem:s23], [sflag:$0x3], $0x80, s28, s22, $0xb8;
	[tilespmem:$0x1E800] =	vst v63  }
0xe0: {  	_ =	swait.ge [sflag:s20], $0x4000  }
0xe1: {  	[sflag:s20] =	ssyncset.done $0x0  }
0xe2: {  	s17 =	simm.s32 $0x0;
	[sflag:s20] =	ssyncadd.s32 $0xFFFFC000  }
0xe3: {  	[tilespmem:s17], [sflag:$0x3] =	stream.linear.gather [hbm4b:s15+s17], $0x1400, $0x38;
	[tilespmem:$0x1E800] =	vst v63  }
0xe4: {  	_ =	swait.ge [sflag:s20], $0x1400  }
0xe5: {  	[sflag:s20] =	ssyncset.done $0x0  }
0xe6: {  	[sflag:s20] =	ssyncadd.s32 $0xFFFFEC00  }
0xe7: {  	[tilespmem:s21], [sflag:$0x3] =	stream.linear.gather [hbm4b:s16+s17], $0x1400, $0x38;
	[tilespmem:$0x1E800] =	vst v63  }
0xe8: {  	_ =	swait.ge [sflag:s20], $0x1400  }
0xe9: {  	[sflag:s20] =	ssyncset.done $0x0  }
0xea: {  	[sflag:s20] =	ssyncadd.s32 $0xFFFFEC00  }
0xeb: {  	[tilespmem:s19], [sflag:$0x1] =	stream.indirect.gather [hbm4b:s1+s22], $0x80, s17, s22, $0xb8;
	[tilespmem:$0x1E800] =	vst v63  }
0xec: {  	_ = 	snop  }
0xed: {  	[tilespmem:s23], [sflag:$0x2] =	stream.indirect.gather [hbm4b:s1+s22], $0x80, s22, s22, $0xb8;
	[tilespmem:$0x1E800] =	vst v63  }
0xee: {  	_ =	swait.ge [sflag:s24], $0x4000  }
0xef: {  	[sflag:s24] =	ssyncset.done $0x0  }
0xf0: {  	s31 =	simm.s32 $0x1400;
	[sflag:s24] =	ssyncadd.s32 $0xFFFFC000  }
0xf1: {  	[spmem:s2] =	stream.indirect.scatter.add.f32 [tilespmem:s19], [sflag:$0x3], $0x80, s31, s22, $0xb8;
	[tilespmem:$0x1E800] =	vst v63  }
0xf2: {  	_ =	swait.ge [sflag:s20], $0x4000  }
0xf3: {  	[sflag:s20] =	ssyncset.done $0x0  }
0xf4: {  	s17 =	simm.s32 $0x100;
	[sflag:s20] =	ssyncadd.s32 $0xFFFFC000  }
0xf5: {  	[tilespmem:s19], [sflag:$0x1] =	stream.indirect.gather [hbm4b:s1+s22], $0x80, s17, s22, $0xb8;
	[tilespmem:$0x1E800] =	vst v63  }
0xf6: {  	_ =	swait.ge [sflag:s25], $0x4000  }
0xf7: {  	[sflag:s25] =	ssyncset.done $0x0  }
0xf8: {  	s31 =	simm.s32 $0x1480;
	[sflag:s25] =	ssyncadd.s32 $0xFFFFC000  }
0xf9: {  	[spmem:s2] =	stream.indirect.scatter.add.f32 [tilespmem:s23], [sflag:$0x3], $0x80, s31, s22, $0xb8;
	[tilespmem:$0x1E800] =	vst v63  }
0xfa: {  	_ =	swait.ge [sflag:s20], $0x4000  }
0xfb: {  	[sflag:s20] =	ssyncset.done $0x0  }
0xfc: {  	s30 =	simm.s32 $0x400;
	s0 =	simm.s32 $0x180;
	[sflag:s20] =	ssyncadd.s32 $0xFFFFC000  }
.LBB2_7:
0xfd: {  	[tilespmem:s23], [sflag:$0x2] =	stream.indirect.gather [hbm4b:s1+s22], $0x80, s0, s22, $0xb8;
	[tilespmem:$0x1E800] =	vst v63  }
0xfe: {  	s0 =	smov.u32 s30  }
0xff: {  	p1 =	seq.s32 s30, $0x4800;
	s30 =	sadd.s32 $0x400, s30;
	_ =	swait.ge [sflag:s24], $0x4000  }
0x100: {  	s0 =	sshra.s32 s0, $0x2;
	[sflag:s24] =	ssyncset.done $0x0  }
0x101: {  	s17 =	sadd.s32 $0x1400, s0;
	[sflag:s24] =	ssyncadd.s32 $0xFFFFC000  }
0x102: {  	[spmem:s2] =	stream.indirect.scatter.add.f32 [tilespmem:s19], [sflag:$0x3], $0x80, s17, s22, $0xb8;
	[tilespmem:$0x1E800] =	vst v63  }
0x103: {  	_ =	swait.ge [sflag:s20], $0x4000  }
0x104: {  	[sflag:s20] =	ssyncset.done $0x0  }
0x105: {  	s17 =	sadd.s32 $0x100, s0;
	[sflag:s20] =	ssyncadd.s32 $0xFFFFC000  }
0x106: {  	[tilespmem:s19], [sflag:$0x1] =	stream.indirect.gather [hbm4b:s1+s22], $0x80, s17, s22, $0xb8;
	[tilespmem:$0x1E800] =	vst v63  }
0x107: {  	_ =	swait.ge [sflag:s25], $0x4000  }
0x108: {  	[sflag:s25] =	ssyncset.done $0x0  }
.Ltmp8:
0x109: {  	s17 =	sadd.s32 $0x1480, s0;
	[sflag:s25] =	ssyncadd.s32 $0xFFFFC000;
	(pc) =	sbr.rel @!p1 .LBB2_7-.Ltmp8, $4  }
0x10a: {  	[spmem:s2] =	stream.indirect.scatter.add.f32 [tilespmem:s23], [sflag:$0x3], $0x80, s17, s22, $0xb8;
	[tilespmem:$0x1E800] =	vst v63  }
0x10b: {  	_ =	swait.ge [sflag:s20], $0x4000  }
0x10c: {  	[sflag:s20] =	ssyncset.done $0x0  }
0x10d: {  	s0 =	sadd.s32 $0x180, s0;
	[sflag:s20] =	ssyncadd.s32 $0xFFFFC000  }
.Ltmp9:
0x10e: {  	_ = 	snop;
	(pc) =	sbr.rel .LBB2_8-.Ltmp9, $1  }
0x10f: {  	_ =	sdelay $0x3  }
.LBB2_15:
0x110: {  	_ =	sfence.sel $0x180000  }
0x111: {  	[bflag:$0x0] =	sbarrier.arrive $0xFFFF  }
0x112: {  	_ =	strace $0x9000004A  }
0x113: {  	[bflag:$0x2] =	sbarrier.arrive $0xFFFF  }
0x114: {  	p0 =	sne.s32 s3, $0x0;
	s0 =	rddreg [dreg:$0x3]  }
0x115: {  	s0 =	sadd.s32 @!p0 $0x100000, s0  }
0x116: {  	[sflag:s0] =	ssyncadd.tile.s32 @!p0 $0x1;
	_ =	shalt  }
.Lfunc_end2:
_tile_overlayer_lowered:
.L_overlay_start_2:
0x117: {  	(tag) =	ssettag $0x2  }
0x118: {  	s0 =	rddreg [dreg:$0x0];
	s2 =	stileid.u32  }
0x119: {  	s1 =	rddreg [dreg:$0x1];
	p0 =	sne.s32 s2, $0x0  }
0x11a: {  	s3 =	rddreg [dreg:$0x2];
	[bflag:$0x3] =	sbarrier.arrive $0xFFFF;
	s2 =	simm.s32 @!p0 $0x1C03  }
0x11b: {  	[timem:s3], [sflag:s2] =	dma.local @!p0 [hbm:s0], s1  }
0x11c: {  	s0 =	simm.s32 @!p0 $0x3  }
0x11d: {  	_ =	swait.ge @!p0 [sflag:s0], s1  }
0x11e: {  	s1 =	ssub.s32 @!p0 $0x0, s1;
	[sflag:s0] =	ssyncset.done @!p0 $0x0  }
0x11f: {  	[sflag:s0] =	ssyncadd.s32 @!p0 s1  }
0x120: {  	[bflag:$0x3] =	sbarrier.arrive $0xFFFF  }
0x121: {  	_ =	shalt  }

</sc_bundles>
